<compile_context>
chip_gen: v7x
topology: tpu7x:2x2x1
jax: 0.10.2.dev20260603
libtpu: 0.0.44.dev20260713+nightly
codegen_flags: <defaults>
</compile_context>

<pallas_src>
import jax
import jax.numpy as jnp
from jax import lax
from jax.experimental import pallas as pl
from jax.experimental.pallas import tpu as pltpu
from jax.experimental.pallas import tpu_sc as plsc

_W0 = 1.0
_W1 = 1.0
_W2 = 2.0
_T = 4.0
_NEG = -1e30
_LN2 = 0.6931471805599453
_SQRT2 = 1.4142135623730951


def _gdkd_body(ys_ref, yt_ref, out_ref):
    b = pl.program_id(0)
    j = pl.program_id(1)

    t = yt_ref[0] * (1.0 / _T)
    s = ys_ref[0] * (1.0 / _T)

    m1v = jnp.max(t, axis=0, keepdims=True)
    t_wo1 = jnp.where(t >= m1v, _NEG, t)
    m2v = jnp.max(t_wo1, axis=0, keepdims=True)
    t_wo2 = jnp.where(t_wo1 >= m2v, _NEG, t_wo1)
    thr = jnp.max(t_wo2, axis=0, keepdims=True)
    mask1 = t >= thr

    et = jnp.exp(t - m1v)
    s1_t = 1.0 + jnp.exp(m2v - m1v) + jnp.exp(thr - m1v)
    sa_t = jnp.sum(et, axis=0, keepdims=True)
    s2_t = sa_t - s1_t

    smax = jnp.max(s, axis=0, keepdims=True)
    es = jnp.exp(s - smax)
    s1_s = jnp.sum(jnp.where(mask1, es, 0.0), axis=0, keepdims=True)
    sa_s = jnp.sum(es, axis=0, keepdims=True)
    s2_s = sa_s - s1_s

    w = et * (t - s)
    a1 = jnp.sum(jnp.where(mask1, w, 0.0), axis=0, keepdims=True)
    aa = jnp.sum(w, axis=0, keepdims=True)
    a2 = aa - a1

    ls1_t = jnp.log(s1_t)
    ls2_t = jnp.log(s2_t)
    lsa_t = jnp.log(sa_t)
    ls1_s = jnp.log(s1_s)
    ls2_s = jnp.log(s2_s)
    lsa_s = jnp.log(sa_s)

    la_t = ls1_t - lsa_t
    lb_t = ls2_t - lsa_t
    la_s = ls1_s - lsa_s
    lb_s = ls2_s - lsa_s
    high = jnp.exp(la_t) * (la_t - la_s) + jnp.exp(lb_t) * (lb_t - lb_s)

    dmax = m1v - smax
    low_top = a1 / s1_t - (ls1_t - ls1_s + dmax)
    low_other = a2 / s2_t - (ls2_t - ls2_s + dmax)

    c = _W0 * high + _W1 * low_top + _W2 * low_other
    cv = jnp.sum(c[0].reshape(-1, 8, 128), axis=0)

    @pl.when((b == 0) & (j == 0))
    def _init():
        out_ref[...] = jnp.zeros_like(out_ref)

    out_ref[...] += cv


def _vlog(x):
    xi = lax.bitcast_convert_type(x, jnp.int32)
    ef = (jnp.bitwise_and(lax.shift_right_logical(xi, 23), 255)
          ).astype(jnp.float32) - 127.0
    mi = jnp.bitwise_or(jnp.bitwise_and(xi, 0x7FFFFF), 0x3F800000)
    m = lax.bitcast_convert_type(mi, jnp.float32)
    big = m > _SQRT2
    m = jnp.where(big, m * 0.5, m)
    ef = jnp.where(big, ef + 1.0, ef)
    z = (m - 1.0) / (m + 1.0)
    z2 = z * z
    p = 1.0 / 9.0
    p = p * z2 + 1.0 / 7.0
    p = p * z2 + 1.0 / 5.0
    p = p * z2 + 1.0 / 3.0
    p = p * z2 + 1.0
    return ef * _LN2 + 2.0 * z * p


def _make_sc_call(num_classes, h, w, rows_start, rows_per_batch):
    c1 = 1.0 / _T
    rpw = rows_per_batch // 8
    nchunks = rpw // 2
    mesh = plsc.VectorSubcoreMesh(core_axis_name="c", subcore_axis_name="s")

    def body(ys_hbm, yt_hbm, out_hbm, t_vm, s_vm, acc_vm):
        wid = lax.axis_index("s") * 2 + lax.axis_index("c")
        b = wid // 8
        k = wid % 8

        def chunk_body(ch, tot):
            h0 = rows_start + k * rpw + ch * 2
            pltpu.sync_copy(yt_hbm.at[b, :, pl.ds(h0, 2), :], t_vm)
            pltpu.sync_copy(ys_hbm.at[b, :, pl.ds(h0, 2), :], s_vm)

            def pv_body(pv, tot_in):
                hh = pv // 8
                w0 = (pv % 8) * 16

                def cls_body(c, carry):
                    m1, m2, m3, p1, p2, p3, sat, sas, aa = carry
                    t = t_vm[c, hh, pl.ds(w0, 16)]
                    s = s_vm[c, hh, pl.ds(w0, 16)]
                    et = jnp.exp(t * c1)
                    es = jnp.exp(s * c1)
                    sat = sat + et
                    sas = sas + es
                    aa = aa + et * (t - s)
                    g1 = t > m1
                    g2 = t > m2
                    g3 = t > m3
                    m3n = jnp.where(g2, m2, jnp.where(g3, t, m3))
                    p3n = jnp.where(g2, p2, jnp.where(g3, s, p3))
                    m2n = jnp.where(g1, m1, jnp.where(g2, t, m2))
                    p2n = jnp.where(g1, p1, jnp.where(g2, s, p2))
                    m1n = jnp.where(g1, t, m1)
                    p1n = jnp.where(g1, s, p1)
                    return (m1n, m2n, m3n, p1n, p2n, p3n, sat, sas, aa)

                neg = jnp.full((16,), _NEG, jnp.float32)
                zero = jnp.zeros((16,), jnp.float32)
                m1, m2, m3, p1, p2, p3, sat, sas, aa = lax.fori_loop(
                    0, num_classes, cls_body,
                    (neg, neg, neg, zero, zero, zero, zero, zero, zero))

                e1 = jnp.exp(m1 * c1)
                e2 = jnp.exp(m2 * c1)
                e3 = jnp.exp(m3 * c1)
                s1_t = e1 + e2 + e3
                s1_s = jnp.exp(p1 * c1) + jnp.exp(p2 * c1) + jnp.exp(p3 * c1)
                a1 = e1 * (m1 - p1) + e2 * (m2 - p2) + e3 * (m3 - p3)
                s2_t = sat - s1_t
                s2_s = sas - s1_s
                a2 = aa - a1

                ls1_t = _vlog(s1_t)
                ls2_t = _vlog(s2_t)
                lsa_t = _vlog(sat)
                ls1_s = _vlog(s1_s)
                ls2_s = _vlog(s2_s)
                lsa_s = _vlog(sas)

                la_t = ls1_t - lsa_t
                lb_t = ls2_t - lsa_t
                la_s = ls1_s - lsa_s
                lb_s = ls2_s - lsa_s
                high = (jnp.exp(la_t) * (la_t - la_s)
                        + jnp.exp(lb_t) * (lb_t - lb_s))
                low_top = a1 * c1 / s1_t - (ls1_t - ls1_s)
                low_other = a2 * c1 / s2_t - (ls2_t - ls2_s)
                return tot_in + (_W0 * high + _W1 * low_top
                                 + _W2 * low_other)

            return lax.fori_loop(0, 16, pv_body, tot)

        tot = lax.fori_loop(0, nchunks, chunk_body,
                            jnp.zeros((16,), jnp.float32))
        acc_vm[...] = tot
        pltpu.sync_copy(acc_vm, out_hbm.at[wid])

    return pl.kernel(
        body,
        mesh=mesh,
        out_type=jax.ShapeDtypeStruct((32, 16), jnp.float32),
        scratch_types=[
            pltpu.VMEM((num_classes, 2, w), jnp.float32),
            pltpu.VMEM((num_classes, 2, w), jnp.float32),
            pltpu.VMEM((16,), jnp.float32),
        ],
    )


def kernel(y_s, y_t):
    bsz, num_classes, h, w = y_s.shape
    n = bsz * h * w
    bh = 16
    h_tc = 96
    sc_out = _make_sc_call(num_classes, h, w, h_tc, h - h_tc)(y_s, y_t)
    tc_acc = pl.pallas_call(
        _gdkd_body,
        grid=(bsz, h_tc // bh),
        in_specs=[
            pl.BlockSpec((1, num_classes, bh, w), lambda b, j: (b, 0, j, 0)),
            pl.BlockSpec((1, num_classes, bh, w), lambda b, j: (b, 0, j, 0)),
        ],
        out_specs=pl.BlockSpec((8, 128), lambda b, j: (0, 0)),
        out_shape=jax.ShapeDtypeStruct((8, 128), jnp.float32),
    )(y_s, y_t)
    return (jnp.sum(tc_acc) + jnp.sum(sc_out)) * (_T * _T / n)

# --- scband reference (transcript-rebuilt; emitter-appended) ---
"""Pipeline reference for scband-gdkd-2353642078346 (READ-ONLY COPY).

The authoritative reference and input builder live on the scoring server;
editing this copy changes nothing except your own understanding.
"""

import jax, jax.numpy as jnp
import numpy as np

W0 = 1.0
W1 = 1.0
W2 = 2.0
K = 3
T = 4.0
MASK_MAG = 1000.0


def setup_inputs(seed: int = 0) -> dict:
    key = jax.random.key(seed)
    k1, k2 = jax.random.split(key)
    y_s = jax.random.normal(k1, (4, 150, 128, 128), dtype=jnp.float32)
    y_t = jax.random.normal(k2, (4, 150, 128, 128), dtype=jnp.float32)
    return {"y_s": y_s, "y_t": y_t}


def _cat_mask(t, m1, m2):
    t1 = jnp.sum(t * m1, axis=1, keepdims=True)
    t2 = jnp.sum(t * m2, axis=1, keepdims=True)
    return jnp.concatenate([t1, t2], axis=1)


def _kl_div_logtarget(log_p_s, log_p_t, temp):
    # forward KL with log-space target, 'batchmean' reduction, scaled by T^2
    p_t = jnp.exp(log_p_t)
    n = log_p_s.shape[0]
    return jnp.sum(p_t * (log_p_t - log_p_s)) / n * (temp ** 2)


def reference(y_s, y_t):
    num_classes = y_s.shape[1]
    ys = jnp.transpose(y_s, (0, 2, 3, 1)).reshape(-1, num_classes)
    yt = jnp.transpose(y_t, (0, 2, 3, 1)).reshape(-1, num_classes)
    n = ys.shape[0]

    # get_masks: top-k ('best') indices of teacher logits -> scatter bool mask
    _, ranks = jax.lax.top_k(yt, K)
    rows = jnp.arange(n)[:, None]
    mask_u1 = jnp.zeros((n, num_classes), dtype=bool).at[rows, ranks].set(True)
    mask_u2 = jnp.logical_not(mask_u1)
    m1 = mask_u1.astype(jnp.float32)
    m2 = mask_u2.astype(jnp.float32)

    soft_y_s = ys / T
    soft_y_t = yt / T
    p_s = jax.nn.softmax(soft_y_s, axis=1)
    p_t = jax.nn.softmax(soft_y_t, axis=1)

    p0_s = _cat_mask(p_s, m1, m2)
    p0_t = _cat_mask(p_t, m1, m2)
    log_p0_s = jnp.log(p0_s)
    # F.kl_div(log_p0_s, p0_t, reduction='batchmean') * T**2
    high_loss = jnp.sum(p0_t * (jnp.log(p0_t) - log_p0_s)) / n * (T ** 2)

    log_p1_s = jax.nn.log_softmax(soft_y_s - MASK_MAG * m2, axis=1)
    log_p1_t = jax.nn.log_softmax(soft_y_t - MASK_MAG * m2, axis=1)
    low_top_loss = _kl_div_logtarget(log_p1_s, log_p1_t, T)

    log_p2_s = jax.nn.log_softmax(soft_y_s - MASK_MAG * m1, axis=1)
    log_p2_t = jax.nn.log_softmax(soft_y_t - MASK_MAG * m1, axis=1)
    low_other_loss = _kl_div_logtarget(log_p2_s, log_p2_t, T)

    gdkd_loss = W0 * high_loss + W1 * low_top_loss + W2 * low_other_loss
    return gdkd_loss

if __name__ == "__main__":
    import jax
    _d = setup_inputs()
    print(jax.jit(kernel)(*tuple(_d.values())))

</pallas_src>

<mosaic_0001>
#map = affine_map<(d0, d1) -> (0, 0, 0, 0)>
#map1 = affine_map<(d0, d1) -> (0, 0)>
module attributes {stable_mosaic.version = 14 : i64} {
  func.func @body(%arg0: i32, %arg1: i32, %arg2: memref<4x150x128x128xf32, #tpu.memory_space<hbm>>, %arg3: memref<4x150x128x128xf32, #tpu.memory_space<hbm>>, %arg4: memref<32x16xf32, #tpu.memory_space<hbm>>, %arg5: memref<150x2x128xf32, #tpu.memory_space<vmem>>, %arg6: memref<150x2x128xf32, #tpu.memory_space<vmem>>, %arg7: memref<16xf32, #tpu.memory_space<vmem>>) attributes {dimension_semantics = [#tpu.dimension_semantics<core_parallel>, #tpu.dimension_semantics<subcore_parallel>], iteration_bounds = array<i64: 2, 16>, scalar_prefetch = 0 : i64, scratch_operands = 3 : i64, tpu.core_type = #tpu.core_type<sc_vector_subcore>, window_params = [{transform_indices = #map}, {transform_indices = #map}, {transform_indices = #map1}]} {
    %mul3A = arith.constant 2 : i32
    %mul3A_0 = arith.muli %arg1, %mul3A : i32
    %add3A = arith.addi %mul3A_0, %arg0 : i32
    %jit3A = arith.constant 8 : i32
    %div3A = arith.divsi %add3A, %jit3A : i32
    %sign3A = arith.constant 0 : i32
    %sign3A_1 = arith.cmpi sgt, %add3A, %sign3A : i32
    %sign3A_2 = arith.extui %sign3A_1 : i1 to i32
    %sign3A_3 = arith.constant 0 : i32
    %sign3A_4 = arith.cmpi slt, %add3A, %sign3A_3 : i32
    %sign3A_5 = arith.extui %sign3A_4 : i1 to i32
    %sign3A_6 = arith.subi %sign3A_2, %sign3A_5 : i32
    %sign3A_7 = arith.constant 0 : i32
    %sign3A_8 = arith.cmpi sgt, %jit3A, %sign3A_7 : i32
    %sign3A_9 = arith.extui %sign3A_8 : i1 to i32
    %sign3A_10 = arith.constant 0 : i32
    %sign3A_11 = arith.cmpi slt, %jit3A, %sign3A_10 : i32
    %sign3A_12 = arith.extui %sign3A_11 : i1 to i32
    %sign3A_13 = arith.subi %sign3A_9, %sign3A_12 : i32
    %ne3A = arith.cmpi ne, %sign3A_6, %sign3A_13 : i32
    %rem3A = arith.remsi %add3A, %jit3A : i32
    %ne3A_14 = arith.constant 0 : i32
    %ne3A_15 = arith.cmpi ne, %rem3A, %ne3A_14 : i32
    %and3A = arith.andi %ne3A, %ne3A_15 : i1
    %sub3A = arith.constant 1 : i32
    %sub3A_16 = arith.subi %div3A, %sub3A : i32
    %select_n3A = arith.select %and3A, %sub3A_16, %div3A : i32
    %jit3A_17 = arith.constant 8 : i32
    %eq3A = arith.constant 0 : i32
    %eq3A_18 = arith.cmpi eq, %jit3A_17, %eq3A : i32
    %jit3A_19 = arith.constant 1 : i32
    %select_n3A_20 = arith.select %eq3A_18, %jit3A_19, %jit3A_17 : i32
    %rem3A_21 = arith.remsi %add3A, %select_n3A_20 : i32
    %ne3A_22 = arith.constant 0 : i32
    %ne3A_23 = arith.cmpi ne, %rem3A_21, %ne3A_22 : i32
    %lt3A = arith.constant 0 : i32
    %lt3A_24 = arith.cmpi slt, %rem3A_21, %lt3A : i32
    %lt3A_25 = arith.constant 0 : i32
    %lt3A_26 = arith.cmpi slt, %select_n3A_20, %lt3A_25 : i32
    %ne3A_27 = arith.xori %lt3A_24, %lt3A_26 : i1
    %and3A_28 = arith.andi %ne3A_27, %ne3A_23 : i1
    %add3A_29 = arith.addi %rem3A_21, %select_n3A_20 : i32
    %select_n3A_30 = arith.select %and3A_28, %add3A_29, %rem3A_21 : i32
    %broadcast_in_dim3A = arith.constant 0.000000e+00 : f32
    %broadcast_in_dim3A_31 = vector.broadcast %broadcast_in_dim3A : f32 to vector<16xf32>
    %scan3A = arith.constant 0 : i32
    %scan3A_32 = arith.constant 2 : i32
    %scan3A_33 = arith.addi %scan3A, %scan3A_32 : i32
    %scan3A_34 = arith.constant 1 : i32
    %scan3A_35 = scf.for %scan3A_40 = %scan3A to %scan3A_33 step %scan3A_34 iter_args(%scan3A_41 = %broadcast_in_dim3A_31) -> (vector<16xf32>)  : i32 {
      %mul3A_42 = arith.constant 4 : i32
      %mul3A_43 = arith.muli %select_n3A_30, %mul3A_42 : i32
      %add3A_44 = arith.constant 96 : i32
      %add3A_45 = arith.addi %add3A_44, %mul3A_43 : i32
      %mul3A_46 = arith.constant 2 : i32
      %mul3A_47 = arith.muli %scan3A_40, %mul3A_46 : i32
      %add3A_48 = arith.addi %add3A_45, %mul3A_47 : i32
      "tpu.region"() ({
        %run_scoped3A = tpu.sem_alloc : memref<!tpu.dma_semaphore, #tpu.memory_space<semaphore_mem>>
        %dma_start3A = arith.constant 0 : i32
        %dma_start3A_55 = arith.constant 0 : i32
        %dma_start3A_56 = tpu.memref_slice %arg3[%select_n3A, %dma_start3A, %add3A_48, %dma_start3A_55] : memref<4x150x128x128xf32, #tpu.memory_space<hbm>> -> memref<1x150x2x128xf32, #tpu.memory_space<hbm>>
        %dma_start3A_57 = tpu.memref_squeeze %dma_start3A_56 : memref<1x150x2x128xf32, #tpu.memory_space<hbm>> -> memref<150x2x128xf32, #tpu.memory_space<hbm>>
        %dma_start3A_58 = arith.constant 0 : i32
        %dma_start3A_59 = arith.constant 0 : i32
        %dma_start3A_60 = tpu.memref_slice %arg3[%select_n3A, %dma_start3A_58, %add3A_48, %dma_start3A_59] : memref<4x150x128x128xf32, #tpu.memory_space<hbm>> -> memref<1x150x2x128xf32, #tpu.memory_space<hbm>>
        %dma_start3A_61 = tpu.memref_squeeze %dma_start3A_60 : memref<1x150x2x128xf32, #tpu.memory_space<hbm>> -> memref<150x2x128xf32, #tpu.memory_space<hbm>>
        tpu.enqueue_dma source(%dma_start3A_61 : memref<150x2x128xf32, #tpu.memory_space<hbm>>) target(%arg5 : memref<150x2x128xf32, #tpu.memory_space<vmem>>) target_semaphore(%run_scoped3A : memref<!tpu.dma_semaphore, #tpu.memory_space<semaphore_mem>>)
        %dma_wait3A = arith.constant 0 : i32
        %dma_wait3A_62 = arith.constant 0 : i32
        %dma_wait3A_63 = tpu.memref_slice %arg3[%select_n3A, %dma_wait3A, %add3A_48, %dma_wait3A_62] : memref<4x150x128x128xf32, #tpu.memory_space<hbm>> -> memref<1x150x2x128xf32, #tpu.memory_space<hbm>>
        %dma_wait3A_64 = tpu.memref_squeeze %dma_wait3A_63 : memref<1x150x2x128xf32, #tpu.memory_space<hbm>> -> memref<150x2x128xf32, #tpu.memory_space<hbm>>
        %dma_wait3A_65 = arith.constant 0 : i32
        %dma_wait3A_66 = arith.constant 0 : i32
        %dma_wait3A_67 = tpu.memref_slice %arg3[%select_n3A, %dma_wait3A_65, %add3A_48, %dma_wait3A_66] : memref<4x150x128x128xf32, #tpu.memory_space<hbm>> -> memref<1x150x2x128xf32, #tpu.memory_space<hbm>>
        %dma_wait3A_68 = tpu.memref_squeeze %dma_wait3A_67 : memref<1x150x2x128xf32, #tpu.memory_space<hbm>> -> memref<150x2x128xf32, #tpu.memory_space<hbm>>
        tpu.wait_dma2 semaphore(%run_scoped3A : memref<!tpu.dma_semaphore, #tpu.memory_space<semaphore_mem>>) src(%dma_wait3A_68 : memref<150x2x128xf32, #tpu.memory_space<hbm>>) dst(%arg5 : memref<150x2x128xf32, #tpu.memory_space<vmem>>)
        tpu.yield
      }) : () -> ()
      "tpu.region"() ({
        %run_scoped3A = tpu.sem_alloc : memref<!tpu.dma_semaphore, #tpu.memory_space<semaphore_mem>>
        %dma_start3A = arith.constant 0 : i32
        %dma_start3A_55 = arith.constant 0 : i32
        %dma_start3A_56 = tpu.memref_slice %arg2[%select_n3A, %dma_start3A, %add3A_48, %dma_start3A_55] : memref<4x150x128x128xf32, #tpu.memory_space<hbm>> -> memref<1x150x2x128xf32, #tpu.memory_space<hbm>>
        %dma_start3A_57 = tpu.memref_squeeze %dma_start3A_56 : memref<1x150x2x128xf32, #tpu.memory_space<hbm>> -> memref<150x2x128xf32, #tpu.memory_space<hbm>>
        %dma_start3A_58 = arith.constant 0 : i32
        %dma_start3A_59 = arith.constant 0 : i32
        %dma_start3A_60 = tpu.memref_slice %arg2[%select_n3A, %dma_start3A_58, %add3A_48, %dma_start3A_59] : memref<4x150x128x128xf32, #tpu.memory_space<hbm>> -> memref<1x150x2x128xf32, #tpu.memory_space<hbm>>
        %dma_start3A_61 = tpu.memref_squeeze %dma_start3A_60 : memref<1x150x2x128xf32, #tpu.memory_space<hbm>> -> memref<150x2x128xf32, #tpu.memory_space<hbm>>
        tpu.enqueue_dma source(%dma_start3A_61 : memref<150x2x128xf32, #tpu.memory_space<hbm>>) target(%arg6 : memref<150x2x128xf32, #tpu.memory_space<vmem>>) target_semaphore(%run_scoped3A : memref<!tpu.dma_semaphore, #tpu.memory_space<semaphore_mem>>)
        %dma_wait3A = arith.constant 0 : i32
        %dma_wait3A_62 = arith.constant 0 : i32
        %dma_wait3A_63 = tpu.memref_slice %arg2[%select_n3A, %dma_wait3A, %add3A_48, %dma_wait3A_62] : memref<4x150x128x128xf32, #tpu.memory_space<hbm>> -> memref<1x150x2x128xf32, #tpu.memory_space<hbm>>
        %dma_wait3A_64 = tpu.memref_squeeze %dma_wait3A_63 : memref<1x150x2x128xf32, #tpu.memory_space<hbm>> -> memref<150x2x128xf32, #tpu.memory_space<hbm>>
        %dma_wait3A_65 = arith.constant 0 : i32
        %dma_wait3A_66 = arith.constant 0 : i32
        %dma_wait3A_67 = tpu.memref_slice %arg2[%select_n3A, %dma_wait3A_65, %add3A_48, %dma_wait3A_66] : memref<4x150x128x128xf32, #tpu.memory_space<hbm>> -> memref<1x150x2x128xf32, #tpu.memory_space<hbm>>
        %dma_wait3A_68 = tpu.memref_squeeze %dma_wait3A_67 : memref<1x150x2x128xf32, #tpu.memory_space<hbm>> -> memref<150x2x128xf32, #tpu.memory_space<hbm>>
        tpu.wait_dma2 semaphore(%run_scoped3A : memref<!tpu.dma_semaphore, #tpu.memory_space<semaphore_mem>>) src(%dma_wait3A_68 : memref<150x2x128xf32, #tpu.memory_space<hbm>>) dst(%arg6 : memref<150x2x128xf32, #tpu.memory_space<vmem>>)
        tpu.yield
      }) : () -> ()
      %scan3A_49 = arith.constant 0 : i32
      %scan3A_50 = arith.constant 16 : i32
      %scan3A_51 = arith.addi %scan3A_49, %scan3A_50 : i32
      %scan3A_52 = arith.constant 1 : i32
      %scan3A_53 = scf.for %scan3A_55 = %scan3A_49 to %scan3A_51 step %scan3A_52 iter_args(%scan3A_56 = %scan3A_41) -> (vector<16xf32>)  : i32 {
        %jit3A_57 = arith.constant 8 : i32
        %div3A_58 = arith.divsi %scan3A_55, %jit3A_57 : i32
        %sign3A_59 = arith.constant 0 : i32
        %sign3A_60 = arith.cmpi sgt, %scan3A_55, %sign3A_59 : i32
        %sign3A_61 = arith.extui %sign3A_60 : i1 to i32
        %sign3A_62 = arith.constant 0 : i32
        %sign3A_63 = arith.cmpi slt, %scan3A_55, %sign3A_62 : i32
        %sign3A_64 = arith.extui %sign3A_63 : i1 to i32
        %sign3A_65 = arith.subi %sign3A_61, %sign3A_64 : i32
        %sign3A_66 = arith.constant 0 : i32
        %sign3A_67 = arith.cmpi sgt, %jit3A_57, %sign3A_66 : i32
        %sign3A_68 = arith.extui %sign3A_67 : i1 to i32
        %sign3A_69 = arith.constant 0 : i32
        %sign3A_70 = arith.cmpi slt, %jit3A_57, %sign3A_69 : i32
        %sign3A_71 = arith.extui %sign3A_70 : i1 to i32
        %sign3A_72 = arith.subi %sign3A_68, %sign3A_71 : i32
        %ne3A_73 = arith.cmpi ne, %sign3A_65, %sign3A_72 : i32
        %rem3A_74 = arith.remsi %scan3A_55, %jit3A_57 : i32
        %ne3A_75 = arith.constant 0 : i32
        %ne3A_76 = arith.cmpi ne, %rem3A_74, %ne3A_75 : i32
        %and3A_77 = arith.andi %ne3A_73, %ne3A_76 : i1
        %sub3A_78 = arith.constant 1 : i32
        %sub3A_79 = arith.subi %div3A_58, %sub3A_78 : i32
        %select_n3A_80 = arith.select %and3A_77, %sub3A_79, %div3A_58 : i32
        %jit3A_81 = arith.constant 8 : i32
        %eq3A_82 = arith.constant 0 : i32
        %eq3A_83 = arith.cmpi eq, %jit3A_81, %eq3A_82 : i32
        %jit3A_84 = arith.constant 1 : i32
        %select_n3A_85 = arith.select %eq3A_83, %jit3A_84, %jit3A_81 : i32
        %rem3A_86 = arith.remsi %scan3A_55, %select_n3A_85 : i32
        %ne3A_87 = arith.constant 0 : i32
        %ne3A_88 = arith.cmpi ne, %rem3A_86, %ne3A_87 : i32
        %lt3A_89 = arith.constant 0 : i32
        %lt3A_90 = arith.cmpi slt, %rem3A_86, %lt3A_89 : i32
        %lt3A_91 = arith.constant 0 : i32
        %lt3A_92 = arith.cmpi slt, %select_n3A_85, %lt3A_91 : i32
        %ne3A_93 = arith.xori %lt3A_90, %lt3A_92 : i1
        %and3A_94 = arith.andi %ne3A_93, %ne3A_88 : i1
        %add3A_95 = arith.addi %rem3A_86, %select_n3A_85 : i32
        %select_n3A_96 = arith.select %and3A_94, %add3A_95, %rem3A_86 : i32
        %mul3A_97 = arith.constant 16 : i32
        %mul3A_98 = arith.muli %select_n3A_96, %mul3A_97 : i32
        %broadcast_in_dim3A_99 = arith.constant -1.000000e+30 : f32
        %broadcast_in_dim3A_100 = vector.broadcast %broadcast_in_dim3A_99 : f32 to vector<16xf32>
        %broadcast_in_dim3A_101 = arith.constant 0.000000e+00 : f32
        %broadcast_in_dim3A_102 = vector.broadcast %broadcast_in_dim3A_101 : f32 to vector<16xf32>
        %scan3A_103 = arith.constant 0 : i32
        %scan3A_104 = arith.constant 150 : i32
        %scan3A_105 = arith.addi %scan3A_103, %scan3A_104 : i32
        %scan3A_106 = arith.constant 1 : i32
        %scan3A_107:9 = scf.for %scan3A_555 = %scan3A_103 to %scan3A_105 step %scan3A_106 iter_args(%scan3A_556 = %broadcast_in_dim3A_100, %scan3A_557 = %broadcast_in_dim3A_100, %scan3A_558 = %broadcast_in_dim3A_100, %scan3A_559 = %broadcast_in_dim3A_102, %scan3A_560 = %broadcast_in_dim3A_102, %scan3A_561 = %broadcast_in_dim3A_102, %scan3A_562 = %broadcast_in_dim3A_102, %scan3A_563 = %broadcast_in_dim3A_102, %scan3A_564 = %broadcast_in_dim3A_102) -> (vector<16xf32>, vector<16xf32>, vector<16xf32>, vector<16xf32>, vector<16xf32>, vector<16xf32>, vector<16xf32>, vector<16xf32>, vector<16xf32>)  : i32 {
          %get3A = arith.index_cast %scan3A_555 : i32 to index
          %get3A_565 = arith.index_cast %select_n3A_80 : i32 to index
          %get3A_566 = arith.index_cast %mul3A_98 : i32 to index
          %get3A_567 = tpu.vector_load %arg5[%get3A, %get3A_565, %get3A_566] {strides = array<i32>} : memref<150x2x128xf32, #tpu.memory_space<vmem>>, vector<1x1x16xf32>,
          %get3A_568 = vector.shape_cast %get3A_567 : vector<1x1x16xf32> to vector<16xf32>
          %get3A_569 = arith.index_cast %scan3A_555 : i32 to index
          %get3A_570 = arith.index_cast %select_n3A_80 : i32 to index
          %get3A_571 = arith.index_cast %mul3A_98 : i32 to index
          %get3A_572 = tpu.vector_load %arg6[%get3A_569, %get3A_570, %get3A_571] {strides = array<i32>} : memref<150x2x128xf32, #tpu.memory_space<vmem>>, vector<1x1x16xf32>,
          %get3A_573 = vector.shape_cast %get3A_572 : vector<1x1x16xf32> to vector<16xf32>
          %mul3A_574 = arith.constant 2.500000e-01 : f32
          %mul3A_575 = vector.broadcast %mul3A_574 : f32 to vector<16xf32>
          %mul3A_576 = arith.mulf %get3A_568, %mul3A_575 : vector<16xf32>
          %exp3A_577 = math.exp %mul3A_576 : vector<16xf32>
          %mul3A_578 = arith.constant 2.500000e-01 : f32
          %mul3A_579 = vector.broadcast %mul3A_578 : f32 to vector<16xf32>
          %mul3A_580 = arith.mulf %get3A_573, %mul3A_579 : vector<16xf32>
          %exp3A_581 = math.exp %mul3A_580 : vector<16xf32>
          %add3A_582 = arith.addf %scan3A_562, %exp3A_577 : vector<16xf32>
          %add3A_583 = arith.addf %scan3A_563, %exp3A_581 : vector<16xf32>
          %sub3A_584 = arith.subf %get3A_568, %get3A_573 : vector<16xf32>
          %mul3A_585 = arith.mulf %exp3A_577, %sub3A_584 : vector<16xf32>
          %add3A_586 = arith.addf %scan3A_564, %mul3A_585 : vector<16xf32>
          %gt3A_587 = arith.cmpf ogt, %get3A_568, %scan3A_556 : vector<16xf32>
          %gt3A_588 = arith.cmpf ogt, %get3A_568, %scan3A_557 : vector<16xf32>
          %gt3A_589 = arith.cmpf ogt, %get3A_568, %scan3A_558 : vector<16xf32>
          %select_n3A_590 = arith.select %gt3A_589, %get3A_568, %scan3A_558 : vector<16xi1>, vector<16xf32>
          %select_n3A_591 = arith.select %gt3A_588, %scan3A_557, %select_n3A_590 : vector<16xi1>, vector<16xf32>
          %select_n3A_592 = arith.select %gt3A_589, %get3A_573, %scan3A_561 : vector<16xi1>, vector<16xf32>
          %select_n3A_593 = arith.select %gt3A_588, %scan3A_560, %select_n3A_592 : vector<16xi1>, vector<16xf32>
          %select_n3A_594 = arith.select %gt3A_588, %get3A_568, %scan3A_557 : vector<16xi1>, vector<16xf32>
          %select_n3A_595 = arith.select %gt3A_587, %scan3A_556, %select_n3A_594 : vector<16xi1>, vector<16xf32>
          %select_n3A_596 = arith.select %gt3A_588, %get3A_573, %scan3A_560 : vector<16xi1>, vector<16xf32>
          %select_n3A_597 = arith.select %gt3A_587, %scan3A_559, %select_n3A_596 : vector<16xi1>, vector<16xf32>
          %select_n3A_598 = arith.select %gt3A_587, %get3A_568, %scan3A_556 : vector<16xi1>, vector<16xf32>
          %select_n3A_599 = arith.select %gt3A_587, %get3A_573, %scan3A_559 : vector<16xi1>, vector<16xf32>
          scf.yield %select_n3A_598, %select_n3A_595, %select_n3A_591, %select_n3A_599, %select_n3A_597, %select_n3A_593, %add3A_582, %add3A_583, %add3A_586 : vector<16xf32>, vector<16xf32>, vector<16xf32>, vector<16xf32>, vector<16xf32>, vector<16xf32>, vector<16xf32>, vector<16xf32>, vector<16xf32>
        }
        %scan3A_108 = arith.constant 150 : i32
        %mul3A_109 = arith.constant 2.500000e-01 : f32
        %mul3A_110 = vector.broadcast %mul3A_109 : f32 to vector<16xf32>
        %mul3A_111 = arith.mulf %scan3A_107#0, %mul3A_110 : vector<16xf32>
        %exp3A = math.exp %mul3A_111 : vector<16xf32>
        %mul3A_112 = arith.constant 2.500000e-01 : f32
        %mul3A_113 = vector.broadcast %mul3A_112 : f32 to vector<16xf32>
        %mul3A_114 = arith.mulf %scan3A_107#1, %mul3A_113 : vector<16xf32>
        %exp3A_115 = math.exp %mul3A_114 : vector<16xf32>
        %mul3A_116 = arith.constant 2.500000e-01 : f32
        %mul3A_117 = vector.broadcast %mul3A_116 : f32 to vector<16xf32>
        %mul3A_118 = arith.mulf %scan3A_107#2, %mul3A_117 : vector<16xf32>
        %exp3A_119 = math.exp %mul3A_118 : vector<16xf32>
        %add3A_120 = arith.addf %exp3A, %exp3A_115 : vector<16xf32>
        %add3A_121 = arith.addf %add3A_120, %exp3A_119 : vector<16xf32>
        %mul3A_122 = arith.constant 2.500000e-01 : f32
        %mul3A_123 = vector.broadcast %mul3A_122 : f32 to vector<16xf32>
        %mul3A_124 = arith.mulf %scan3A_107#3, %mul3A_123 : vector<16xf32>
        %exp3A_125 = math.exp %mul3A_124 : vector<16xf32>
        %mul3A_126 = arith.constant 2.500000e-01 : f32
        %mul3A_127 = vector.broadcast %mul3A_126 : f32 to vector<16xf32>
        %mul3A_128 = arith.mulf %scan3A_107#4, %mul3A_127 : vector<16xf32>
        %exp3A_129 = math.exp %mul3A_128 : vector<16xf32>
        %add3A_130 = arith.addf %exp3A_125, %exp3A_129 : vector<16xf32>
        %mul3A_131 = arith.constant 2.500000e-01 : f32
        %mul3A_132 = vector.broadcast %mul3A_131 : f32 to vector<16xf32>
        %mul3A_133 = arith.mulf %scan3A_107#5, %mul3A_132 : vector<16xf32>
        %exp3A_134 = math.exp %mul3A_133 : vector<16xf32>
        %add3A_135 = arith.addf %add3A_130, %exp3A_134 : vector<16xf32>
        %sub3A_136 = arith.subf %scan3A_107#0, %scan3A_107#3 : vector<16xf32>
        %mul3A_137 = arith.mulf %exp3A, %sub3A_136 : vector<16xf32>
        %sub3A_138 = arith.subf %scan3A_107#1, %scan3A_107#4 : vector<16xf32>
        %mul3A_139 = arith.mulf %exp3A_115, %sub3A_138 : vector<16xf32>
        %add3A_140 = arith.addf %mul3A_137, %mul3A_139 : vector<16xf32>
        %sub3A_141 = arith.subf %scan3A_107#2, %scan3A_107#5 : vector<16xf32>
        %mul3A_142 = arith.mulf %exp3A_119, %sub3A_141 : vector<16xf32>
        %add3A_143 = arith.addf %add3A_140, %mul3A_142 : vector<16xf32>
        %sub3A_144 = arith.subf %scan3A_107#6, %add3A_121 : vector<16xf32>
        %sub3A_145 = arith.subf %scan3A_107#7, %add3A_135 : vector<16xf32>
        %sub3A_146 = arith.subf %scan3A_107#8, %add3A_143 : vector<16xf32>
        %bitcast_convert_type3A = tpu.bitcast %add3A_121 : vector<16xf32> -> vector<16xi32>
        %shift_right_logical3A = arith.constant 23 : i32
        %shift_right_logical3A_147 = vector.broadcast %shift_right_logical3A : i32 to vector<16xi32>
        %shift_right_logical3A_148 = arith.shrui %bitcast_convert_type3A, %shift_right_logical3A_147 : vector<16xi32>
        %and3A_149 = arith.constant 255 : i32
        %and3A_150 = vector.broadcast %and3A_149 : i32 to vector<16xi32>
        %and3A_151 = arith.andi %shift_right_logical3A_148, %and3A_150 : vector<16xi32>
        %convert_element_type3A = arith.sitofp %and3A_151 : vector<16xi32> to vector<16xf32>
        %sub3A_152 = arith.constant 1.270000e+02 : f32
        %sub3A_153 = vector.broadcast %sub3A_152 : f32 to vector<16xf32>
        %sub3A_154 = arith.subf %convert_element_type3A, %sub3A_153 : vector<16xf32>
        %and3A_155 = arith.constant 8388607 : i32
        %and3A_156 = vector.broadcast %and3A_155 : i32 to vector<16xi32>
        %and3A_157 = arith.andi %bitcast_convert_type3A, %and3A_156 : vector<16xi32>
        %or3A = arith.constant 1065353216 : i32
        %or3A_158 = vector.broadcast %or3A : i32 to vector<16xi32>
        %or3A_159 = arith.ori %and3A_157, %or3A_158 : vector<16xi32>
        %bitcast_convert_type3A_160 = tpu.bitcast %or3A_159 : vector<16xi32> -> vector<16xf32>
        %gt3A = arith.constant 1.41421354 : f32
        %gt3A_161 = vector.broadcast %gt3A : f32 to vector<16xf32>
        %gt3A_162 = arith.cmpf ogt, %bitcast_convert_type3A_160, %gt3A_161 : vector<16xf32>
        %mul3A_163 = arith.constant 5.000000e-01 : f32
        %mul3A_164 = vector.broadcast %mul3A_163 : f32 to vector<16xf32>
        %mul3A_165 = arith.mulf %bitcast_convert_type3A_160, %mul3A_164 : vector<16xf32>
        %select_n3A_166 = arith.select %gt3A_162, %mul3A_165, %bitcast_convert_type3A_160 : vector<16xi1>, vector<16xf32>
        %add3A_167 = arith.constant 1.000000e+00 : f32
        %add3A_168 = vector.broadcast %add3A_167 : f32 to vector<16xf32>
        %add3A_169 = arith.addf %sub3A_154, %add3A_168 : vector<16xf32>
        %select_n3A_170 = arith.select %gt3A_162, %add3A_169, %sub3A_154 : vector<16xi1>, vector<16xf32>
        %sub3A_171 = arith.constant 1.000000e+00 : f32
        %sub3A_172 = vector.broadcast %sub3A_171 : f32 to vector<16xf32>
        %sub3A_173 = arith.subf %select_n3A_166, %sub3A_172 : vector<16xf32>
        %add3A_174 = arith.constant 1.000000e+00 : f32
        %add3A_175 = vector.broadcast %add3A_174 : f32 to vector<16xf32>
        %add3A_176 = arith.addf %select_n3A_166, %add3A_175 : vector<16xf32>
        %div3A_177 = arith.divf %sub3A_173, %add3A_176 : vector<16xf32>
        %mul3A_178 = arith.mulf %div3A_177, %div3A_177 : vector<16xf32>
        %mul3A_179 = arith.constant 0.111111112 : f32
        %mul3A_180 = vector.broadcast %mul3A_179 : f32 to vector<16xf32>
        %mul3A_181 = arith.mulf %mul3A_180, %mul3A_178 : vector<16xf32>
        %add3A_182 = arith.constant 0.142857149 : f32
        %add3A_183 = vector.broadcast %add3A_182 : f32 to vector<16xf32>
        %add3A_184 = arith.addf %mul3A_181, %add3A_183 : vector<16xf32>
        %mul3A_185 = arith.mulf %add3A_184, %mul3A_178 : vector<16xf32>
        %add3A_186 = arith.constant 2.000000e-01 : f32
        %add3A_187 = vector.broadcast %add3A_186 : f32 to vector<16xf32>
        %add3A_188 = arith.addf %mul3A_185, %add3A_187 : vector<16xf32>
        %mul3A_189 = arith.mulf %add3A_188, %mul3A_178 : vector<16xf32>
        %add3A_190 = arith.constant 0.333333343 : f32
        %add3A_191 = vector.broadcast %add3A_190 : f32 to vector<16xf32>
        %add3A_192 = arith.addf %mul3A_189, %add3A_191 : vector<16xf32>
        %mul3A_193 = arith.mulf %add3A_192, %mul3A_178 : vector<16xf32>
        %add3A_194 = arith.constant 1.000000e+00 : f32
        %add3A_195 = vector.broadcast %add3A_194 : f32 to vector<16xf32>
        %add3A_196 = arith.addf %mul3A_193, %add3A_195 : vector<16xf32>
        %mul3A_197 = arith.constant 0.693147182 : f32
        %mul3A_198 = vector.broadcast %mul3A_197 : f32 to vector<16xf32>
        %mul3A_199 = arith.mulf %select_n3A_170, %mul3A_198 : vector<16xf32>
        %mul3A_200 = arith.constant 2.000000e+00 : f32
        %mul3A_201 = vector.broadcast %mul3A_200 : f32 to vector<16xf32>
        %mul3A_202 = arith.mulf %mul3A_201, %div3A_177 : vector<16xf32>
        %mul3A_203 = arith.mulf %mul3A_202, %add3A_196 : vector<16xf32>
        %add3A_204 = arith.addf %mul3A_199, %mul3A_203 : vector<16xf32>
        %bitcast_convert_type3A_205 = tpu.bitcast %sub3A_144 : vector<16xf32> -> vector<16xi32>
        %shift_right_logical3A_206 = arith.constant 23 : i32
        %shift_right_logical3A_207 = vector.broadcast %shift_right_logical3A_206 : i32 to vector<16xi32>
        %shift_right_logical3A_208 = arith.shrui %bitcast_convert_type3A_205, %shift_right_logical3A_207 : vector<16xi32>
        %and3A_209 = arith.constant 255 : i32
        %and3A_210 = vector.broadcast %and3A_209 : i32 to vector<16xi32>
        %and3A_211 = arith.andi %shift_right_logical3A_208, %and3A_210 : vector<16xi32>
        %convert_element_type3A_212 = arith.sitofp %and3A_211 : vector<16xi32> to vector<16xf32>
        %sub3A_213 = arith.constant 1.270000e+02 : f32
        %sub3A_214 = vector.broadcast %sub3A_213 : f32 to vector<16xf32>
        %sub3A_215 = arith.subf %convert_element_type3A_212, %sub3A_214 : vector<16xf32>
        %and3A_216 = arith.constant 8388607 : i32
        %and3A_217 = vector.broadcast %and3A_216 : i32 to vector<16xi32>
        %and3A_218 = arith.andi %bitcast_convert_type3A_205, %and3A_217 : vector<16xi32>
        %or3A_219 = arith.constant 1065353216 : i32
        %or3A_220 = vector.broadcast %or3A_219 : i32 to vector<16xi32>
        %or3A_221 = arith.ori %and3A_218, %or3A_220 : vector<16xi32>
        %bitcast_convert_type3A_222 = tpu.bitcast %or3A_221 : vector<16xi32> -> vector<16xf32>
        %gt3A_223 = arith.constant 1.41421354 : f32
        %gt3A_224 = vector.broadcast %gt3A_223 : f32 to vector<16xf32>
        %gt3A_225 = arith.cmpf ogt, %bitcast_convert_type3A_222, %gt3A_224 : vector<16xf32>
        %mul3A_226 = arith.constant 5.000000e-01 : f32
        %mul3A_227 = vector.broadcast %mul3A_226 : f32 to vector<16xf32>
        %mul3A_228 = arith.mulf %bitcast_convert_type3A_222, %mul3A_227 : vector<16xf32>
        %select_n3A_229 = arith.select %gt3A_225, %mul3A_228, %bitcast_convert_type3A_222 : vector<16xi1>, vector<16xf32>
        %add3A_230 = arith.constant 1.000000e+00 : f32
        %add3A_231 = vector.broadcast %add3A_230 : f32 to vector<16xf32>
        %add3A_232 = arith.addf %sub3A_215, %add3A_231 : vector<16xf32>
        %select_n3A_233 = arith.select %gt3A_225, %add3A_232, %sub3A_215 : vector<16xi1>, vector<16xf32>
        %sub3A_234 = arith.constant 1.000000e+00 : f32
        %sub3A_235 = vector.broadcast %sub3A_234 : f32 to vector<16xf32>
        %sub3A_236 = arith.subf %select_n3A_229, %sub3A_235 : vector<16xf32>
        %add3A_237 = arith.constant 1.000000e+00 : f32
        %add3A_238 = vector.broadcast %add3A_237 : f32 to vector<16xf32>
        %add3A_239 = arith.addf %select_n3A_229, %add3A_238 : vector<16xf32>
        %div3A_240 = arith.divf %sub3A_236, %add3A_239 : vector<16xf32>
        %mul3A_241 = arith.mulf %div3A_240, %div3A_240 : vector<16xf32>
        %mul3A_242 = arith.constant 0.111111112 : f32
        %mul3A_243 = vector.broadcast %mul3A_242 : f32 to vector<16xf32>
        %mul3A_244 = arith.mulf %mul3A_243, %mul3A_241 : vector<16xf32>
        %add3A_245 = arith.constant 0.142857149 : f32
        %add3A_246 = vector.broadcast %add3A_245 : f32 to vector<16xf32>
        %add3A_247 = arith.addf %mul3A_244, %add3A_246 : vector<16xf32>
        %mul3A_248 = arith.mulf %add3A_247, %mul3A_241 : vector<16xf32>
        %add3A_249 = arith.constant 2.000000e-01 : f32
        %add3A_250 = vector.broadcast %add3A_249 : f32 to vector<16xf32>
        %add3A_251 = arith.addf %mul3A_248, %add3A_250 : vector<16xf32>
        %mul3A_252 = arith.mulf %add3A_251, %mul3A_241 : vector<16xf32>
        %add3A_253 = arith.constant 0.333333343 : f32
        %add3A_254 = vector.broadcast %add3A_253 : f32 to vector<16xf32>
        %add3A_255 = arith.addf %mul3A_252, %add3A_254 : vector<16xf32>
        %mul3A_256 = arith.mulf %add3A_255, %mul3A_241 : vector<16xf32>
        %add3A_257 = arith.constant 1.000000e+00 : f32
        %add3A_258 = vector.broadcast %add3A_257 : f32 to vector<16xf32>
        %add3A_259 = arith.addf %mul3A_256, %add3A_258 : vector<16xf32>
        %mul3A_260 = arith.constant 0.693147182 : f32
        %mul3A_261 = vector.broadcast %mul3A_260 : f32 to vector<16xf32>
        %mul3A_262 = arith.mulf %select_n3A_233, %mul3A_261 : vector<16xf32>
        %mul3A_263 = arith.constant 2.000000e+00 : f32
        %mul3A_264 = vector.broadcast %mul3A_263 : f32 to vector<16xf32>
        %mul3A_265 = arith.mulf %mul3A_264, %div3A_240 : vector<16xf32>
        %mul3A_266 = arith.mulf %mul3A_265, %add3A_259 : vector<16xf32>
        %add3A_267 = arith.addf %mul3A_262, %mul3A_266 : vector<16xf32>
        %bitcast_convert_type3A_268 = tpu.bitcast %scan3A_107#6 : vector<16xf32> -> vector<16xi32>
        %shift_right_logical3A_269 = arith.constant 23 : i32
        %shift_right_logical3A_270 = vector.broadcast %shift_right_logical3A_269 : i32 to vector<16xi32>
        %shift_right_logical3A_271 = arith.shrui %bitcast_convert_type3A_268, %shift_right_logical3A_270 : vector<16xi32>
        %and3A_272 = arith.constant 255 : i32
        %and3A_273 = vector.broadcast %and3A_272 : i32 to vector<16xi32>
        %and3A_274 = arith.andi %shift_right_logical3A_271, %and3A_273 : vector<16xi32>
        %convert_element_type3A_275 = arith.sitofp %and3A_274 : vector<16xi32> to vector<16xf32>
        %sub3A_276 = arith.constant 1.270000e+02 : f32
        %sub3A_277 = vector.broadcast %sub3A_276 : f32 to vector<16xf32>
        %sub3A_278 = arith.subf %convert_element_type3A_275, %sub3A_277 : vector<16xf32>
        %and3A_279 = arith.constant 8388607 : i32
        %and3A_280 = vector.broadcast %and3A_279 : i32 to vector<16xi32>
        %and3A_281 = arith.andi %bitcast_convert_type3A_268, %and3A_280 : vector<16xi32>
        %or3A_282 = arith.constant 1065353216 : i32
        %or3A_283 = vector.broadcast %or3A_282 : i32 to vector<16xi32>
        %or3A_284 = arith.ori %and3A_281, %or3A_283 : vector<16xi32>
        %bitcast_convert_type3A_285 = tpu.bitcast %or3A_284 : vector<16xi32> -> vector<16xf32>
        %gt3A_286 = arith.constant 1.41421354 : f32
        %gt3A_287 = vector.broadcast %gt3A_286 : f32 to vector<16xf32>
        %gt3A_288 = arith.cmpf ogt, %bitcast_convert_type3A_285, %gt3A_287 : vector<16xf32>
        %mul3A_289 = arith.constant 5.000000e-01 : f32
        %mul3A_290 = vector.broadcast %mul3A_289 : f32 to vector<16xf32>
        %mul3A_291 = arith.mulf %bitcast_convert_type3A_285, %mul3A_290 : vector<16xf32>
        %select_n3A_292 = arith.select %gt3A_288, %mul3A_291, %bitcast_convert_type3A_285 : vector<16xi1>, vector<16xf32>
        %add3A_293 = arith.constant 1.000000e+00 : f32
        %add3A_294 = vector.broadcast %add3A_293 : f32 to vector<16xf32>
        %add3A_295 = arith.addf %sub3A_278, %add3A_294 : vector<16xf32>
        %select_n3A_296 = arith.select %gt3A_288, %add3A_295, %sub3A_278 : vector<16xi1>, vector<16xf32>
        %sub3A_297 = arith.constant 1.000000e+00 : f32
        %sub3A_298 = vector.broadcast %sub3A_297 : f32 to vector<16xf32>
        %sub3A_299 = arith.subf %select_n3A_292, %sub3A_298 : vector<16xf32>
        %add3A_300 = arith.constant 1.000000e+00 : f32
        %add3A_301 = vector.broadcast %add3A_300 : f32 to vector<16xf32>
        %add3A_302 = arith.addf %select_n3A_292, %add3A_301 : vector<16xf32>
        %div3A_303 = arith.divf %sub3A_299, %add3A_302 : vector<16xf32>
        %mul3A_304 = arith.mulf %div3A_303, %div3A_303 : vector<16xf32>
        %mul3A_305 = arith.constant 0.111111112 : f32
        %mul3A_306 = vector.broadcast %mul3A_305 : f32 to vector<16xf32>
        %mul3A_307 = arith.mulf %mul3A_306, %mul3A_304 : vector<16xf32>
        %add3A_308 = arith.constant 0.142857149 : f32
        %add3A_309 = vector.broadcast %add3A_308 : f32 to vector<16xf32>
        %add3A_310 = arith.addf %mul3A_307, %add3A_309 : vector<16xf32>
        %mul3A_311 = arith.mulf %add3A_310, %mul3A_304 : vector<16xf32>
        %add3A_312 = arith.constant 2.000000e-01 : f32
        %add3A_313 = vector.broadcast %add3A_312 : f32 to vector<16xf32>
        %add3A_314 = arith.addf %mul3A_311, %add3A_313 : vector<16xf32>
        %mul3A_315 = arith.mulf %add3A_314, %mul3A_304 : vector<16xf32>
        %add3A_316 = arith.constant 0.333333343 : f32
        %add3A_317 = vector.broadcast %add3A_316 : f32 to vector<16xf32>
        %add3A_318 = arith.addf %mul3A_315, %add3A_317 : vector<16xf32>
        %mul3A_319 = arith.mulf %add3A_318, %mul3A_304 : vector<16xf32>
        %add3A_320 = arith.constant 1.000000e+00 : f32
        %add3A_321 = vector.broadcast %add3A_320 : f32 to vector<16xf32>
        %add3A_322 = arith.addf %mul3A_319, %add3A_321 : vector<16xf32>
        %mul3A_323 = arith.constant 0.693147182 : f32
        %mul3A_324 = vector.broadcast %mul3A_323 : f32 to vector<16xf32>
        %mul3A_325 = arith.mulf %select_n3A_296, %mul3A_324 : vector<16xf32>
        %mul3A_326 = arith.constant 2.000000e+00 : f32
        %mul3A_327 = vector.broadcast %mul3A_326 : f32 to vector<16xf32>
        %mul3A_328 = arith.mulf %mul3A_327, %div3A_303 : vector<16xf32>
        %mul3A_329 = arith.mulf %mul3A_328, %add3A_322 : vector<16xf32>
        %add3A_330 = arith.addf %mul3A_325, %mul3A_329 : vector<16xf32>
        %bitcast_convert_type3A_331 = tpu.bitcast %add3A_135 : vector<16xf32> -> vector<16xi32>
        %shift_right_logical3A_332 = arith.constant 23 : i32
        %shift_right_logical3A_333 = vector.broadcast %shift_right_logical3A_332 : i32 to vector<16xi32>
        %shift_right_logical3A_334 = arith.shrui %bitcast_convert_type3A_331, %shift_right_logical3A_333 : vector<16xi32>
        %and3A_335 = arith.constant 255 : i32
        %and3A_336 = vector.broadcast %and3A_335 : i32 to vector<16xi32>
        %and3A_337 = arith.andi %shift_right_logical3A_334, %and3A_336 : vector<16xi32>
        %convert_element_type3A_338 = arith.sitofp %and3A_337 : vector<16xi32> to vector<16xf32>
        %sub3A_339 = arith.constant 1.270000e+02 : f32
        %sub3A_340 = vector.broadcast %sub3A_339 : f32 to vector<16xf32>
        %sub3A_341 = arith.subf %convert_element_type3A_338, %sub3A_340 : vector<16xf32>
        %and3A_342 = arith.constant 8388607 : i32
        %and3A_343 = vector.broadcast %and3A_342 : i32 to vector<16xi32>
        %and3A_344 = arith.andi %bitcast_convert_type3A_331, %and3A_343 : vector<16xi32>
        %or3A_345 = arith.constant 1065353216 : i32
        %or3A_346 = vector.broadcast %or3A_345 : i32 to vector<16xi32>
        %or3A_347 = arith.ori %and3A_344, %or3A_346 : vector<16xi32>
        %bitcast_convert_type3A_348 = tpu.bitcast %or3A_347 : vector<16xi32> -> vector<16xf32>
        %gt3A_349 = arith.constant 1.41421354 : f32
        %gt3A_350 = vector.broadcast %gt3A_349 : f32 to vector<16xf32>
        %gt3A_351 = arith.cmpf ogt, %bitcast_convert_type3A_348, %gt3A_350 : vector<16xf32>
        %mul3A_352 = arith.constant 5.000000e-01 : f32
        %mul3A_353 = vector.broadcast %mul3A_352 : f32 to vector<16xf32>
        %mul3A_354 = arith.mulf %bitcast_convert_type3A_348, %mul3A_353 : vector<16xf32>
        %select_n3A_355 = arith.select %gt3A_351, %mul3A_354, %bitcast_convert_type3A_348 : vector<16xi1>, vector<16xf32>
        %add3A_356 = arith.constant 1.000000e+00 : f32
        %add3A_357 = vector.broadcast %add3A_356 : f32 to vector<16xf32>
        %add3A_358 = arith.addf %sub3A_341, %add3A_357 : vector<16xf32>
        %select_n3A_359 = arith.select %gt3A_351, %add3A_358, %sub3A_341 : vector<16xi1>, vector<16xf32>
        %sub3A_360 = arith.constant 1.000000e+00 : f32
        %sub3A_361 = vector.broadcast %sub3A_360 : f32 to vector<16xf32>
        %sub3A_362 = arith.subf %select_n3A_355, %sub3A_361 : vector<16xf32>
        %add3A_363 = arith.constant 1.000000e+00 : f32
        %add3A_364 = vector.broadcast %add3A_363 : f32 to vector<16xf32>
        %add3A_365 = arith.addf %select_n3A_355, %add3A_364 : vector<16xf32>
        %div3A_366 = arith.divf %sub3A_362, %add3A_365 : vector<16xf32>
        %mul3A_367 = arith.mulf %div3A_366, %div3A_366 : vector<16xf32>
        %mul3A_368 = arith.constant 0.111111112 : f32
        %mul3A_369 = vector.broadcast %mul3A_368 : f32 to vector<16xf32>
        %mul3A_370 = arith.mulf %mul3A_369, %mul3A_367 : vector<16xf32>
        %add3A_371 = arith.constant 0.142857149 : f32
        %add3A_372 = vector.broadcast %add3A_371 : f32 to vector<16xf32>
        %add3A_373 = arith.addf %mul3A_370, %add3A_372 : vector<16xf32>
        %mul3A_374 = arith.mulf %add3A_373, %mul3A_367 : vector<16xf32>
        %add3A_375 = arith.constant 2.000000e-01 : f32
        %add3A_376 = vector.broadcast %add3A_375 : f32 to vector<16xf32>
        %add3A_377 = arith.addf %mul3A_374, %add3A_376 : vector<16xf32>
        %mul3A_378 = arith.mulf %add3A_377, %mul3A_367 : vector<16xf32>
        %add3A_379 = arith.constant 0.333333343 : f32
        %add3A_380 = vector.broadcast %add3A_379 : f32 to vector<16xf32>
        %add3A_381 = arith.addf %mul3A_378, %add3A_380 : vector<16xf32>
        %mul3A_382 = arith.mulf %add3A_381, %mul3A_367 : vector<16xf32>
        %add3A_383 = arith.constant 1.000000e+00 : f32
        %add3A_384 = vector.broadcast %add3A_383 : f32 to vector<16xf32>
        %add3A_385 = arith.addf %mul3A_382, %add3A_384 : vector<16xf32>
        %mul3A_386 = arith.constant 0.693147182 : f32
        %mul3A_387 = vector.broadcast %mul3A_386 : f32 to vector<16xf32>
        %mul3A_388 = arith.mulf %select_n3A_359, %mul3A_387 : vector<16xf32>
        %mul3A_389 = arith.constant 2.000000e+00 : f32
        %mul3A_390 = vector.broadcast %mul3A_389 : f32 to vector<16xf32>
        %mul3A_391 = arith.mulf %mul3A_390, %div3A_366 : vector<16xf32>
        %mul3A_392 = arith.mulf %mul3A_391, %add3A_385 : vector<16xf32>
        %add3A_393 = arith.addf %mul3A_388, %mul3A_392 : vector<16xf32>
        %bitcast_convert_type3A_394 = tpu.bitcast %sub3A_145 : vector<16xf32> -> vector<16xi32>
        %shift_right_logical3A_395 = arith.constant 23 : i32
        %shift_right_logical3A_396 = vector.broadcast %shift_right_logical3A_395 : i32 to vector<16xi32>
        %shift_right_logical3A_397 = arith.shrui %bitcast_convert_type3A_394, %shift_right_logical3A_396 : vector<16xi32>
        %and3A_398 = arith.constant 255 : i32
        %and3A_399 = vector.broadcast %and3A_398 : i32 to vector<16xi32>
        %and3A_400 = arith.andi %shift_right_logical3A_397, %and3A_399 : vector<16xi32>
        %convert_element_type3A_401 = arith.sitofp %and3A_400 : vector<16xi32> to vector<16xf32>
        %sub3A_402 = arith.constant 1.270000e+02 : f32
        %sub3A_403 = vector.broadcast %sub3A_402 : f32 to vector<16xf32>
        %sub3A_404 = arith.subf %convert_element_type3A_401, %sub3A_403 : vector<16xf32>
        %and3A_405 = arith.constant 8388607 : i32
        %and3A_406 = vector.broadcast %and3A_405 : i32 to vector<16xi32>
        %and3A_407 = arith.andi %bitcast_convert_type3A_394, %and3A_406 : vector<16xi32>
        %or3A_408 = arith.constant 1065353216 : i32
        %or3A_409 = vector.broadcast %or3A_408 : i32 to vector<16xi32>
        %or3A_410 = arith.ori %and3A_407, %or3A_409 : vector<16xi32>
        %bitcast_convert_type3A_411 = tpu.bitcast %or3A_410 : vector<16xi32> -> vector<16xf32>
        %gt3A_412 = arith.constant 1.41421354 : f32
        %gt3A_413 = vector.broadcast %gt3A_412 : f32 to vector<16xf32>
        %gt3A_414 = arith.cmpf ogt, %bitcast_convert_type3A_411, %gt3A_413 : vector<16xf32>
        %mul3A_415 = arith.constant 5.000000e-01 : f32
        %mul3A_416 = vector.broadcast %mul3A_415 : f32 to vector<16xf32>
        %mul3A_417 = arith.mulf %bitcast_convert_type3A_411, %mul3A_416 : vector<16xf32>
        %select_n3A_418 = arith.select %gt3A_414, %mul3A_417, %bitcast_convert_type3A_411 : vector<16xi1>, vector<16xf32>
        %add3A_419 = arith.constant 1.000000e+00 : f32
        %add3A_420 = vector.broadcast %add3A_419 : f32 to vector<16xf32>
        %add3A_421 = arith.addf %sub3A_404, %add3A_420 : vector<16xf32>
        %select_n3A_422 = arith.select %gt3A_414, %add3A_421, %sub3A_404 : vector<16xi1>, vector<16xf32>
        %sub3A_423 = arith.constant 1.000000e+00 : f32
        %sub3A_424 = vector.broadcast %sub3A_423 : f32 to vector<16xf32>
        %sub3A_425 = arith.subf %select_n3A_418, %sub3A_424 : vector<16xf32>
        %add3A_426 = arith.constant 1.000000e+00 : f32
        %add3A_427 = vector.broadcast %add3A_426 : f32 to vector<16xf32>
        %add3A_428 = arith.addf %select_n3A_418, %add3A_427 : vector<16xf32>
        %div3A_429 = arith.divf %sub3A_425, %add3A_428 : vector<16xf32>
        %mul3A_430 = arith.mulf %div3A_429, %div3A_429 : vector<16xf32>
        %mul3A_431 = arith.constant 0.111111112 : f32
        %mul3A_432 = vector.broadcast %mul3A_431 : f32 to vector<16xf32>
        %mul3A_433 = arith.mulf %mul3A_432, %mul3A_430 : vector<16xf32>
        %add3A_434 = arith.constant 0.142857149 : f32
        %add3A_435 = vector.broadcast %add3A_434 : f32 to vector<16xf32>
        %add3A_436 = arith.addf %mul3A_433, %add3A_435 : vector<16xf32>
        %mul3A_437 = arith.mulf %add3A_436, %mul3A_430 : vector<16xf32>
        %add3A_438 = arith.constant 2.000000e-01 : f32
        %add3A_439 = vector.broadcast %add3A_438 : f32 to vector<16xf32>
        %add3A_440 = arith.addf %mul3A_437, %add3A_439 : vector<16xf32>
        %mul3A_441 = arith.mulf %add3A_440, %mul3A_430 : vector<16xf32>
        %add3A_442 = arith.constant 0.333333343 : f32
        %add3A_443 = vector.broadcast %add3A_442 : f32 to vector<16xf32>
        %add3A_444 = arith.addf %mul3A_441, %add3A_443 : vector<16xf32>
        %mul3A_445 = arith.mulf %add3A_444, %mul3A_430 : vector<16xf32>
        %add3A_446 = arith.constant 1.000000e+00 : f32
        %add3A_447 = vector.broadcast %add3A_446 : f32 to vector<16xf32>
        %add3A_448 = arith.addf %mul3A_445, %add3A_447 : vector<16xf32>
        %mul3A_449 = arith.constant 0.693147182 : f32
        %mul3A_450 = vector.broadcast %mul3A_449 : f32 to vector<16xf32>
        %mul3A_451 = arith.mulf %select_n3A_422, %mul3A_450 : vector<16xf32>
        %mul3A_452 = arith.constant 2.000000e+00 : f32
        %mul3A_453 = vector.broadcast %mul3A_452 : f32 to vector<16xf32>
        %mul3A_454 = arith.mulf %mul3A_453, %div3A_429 : vector<16xf32>
        %mul3A_455 = arith.mulf %mul3A_454, %add3A_448 : vector<16xf32>
        %add3A_456 = arith.addf %mul3A_451, %mul3A_455 : vector<16xf32>
        %bitcast_convert_type3A_457 = tpu.bitcast %scan3A_107#7 : vector<16xf32> -> vector<16xi32>
        %shift_right_logical3A_458 = arith.constant 23 : i32
        %shift_right_logical3A_459 = vector.broadcast %shift_right_logical3A_458 : i32 to vector<16xi32>
        %shift_right_logical3A_460 = arith.shrui %bitcast_convert_type3A_457, %shift_right_logical3A_459 : vector<16xi32>
        %and3A_461 = arith.constant 255 : i32
        %and3A_462 = vector.broadcast %and3A_461 : i32 to vector<16xi32>
        %and3A_463 = arith.andi %shift_right_logical3A_460, %and3A_462 : vector<16xi32>
        %convert_element_type3A_464 = arith.sitofp %and3A_463 : vector<16xi32> to vector<16xf32>
        %sub3A_465 = arith.constant 1.270000e+02 : f32
        %sub3A_466 = vector.broadcast %sub3A_465 : f32 to vector<16xf32>
        %sub3A_467 = arith.subf %convert_element_type3A_464, %sub3A_466 : vector<16xf32>
        %and3A_468 = arith.constant 8388607 : i32
        %and3A_469 = vector.broadcast %and3A_468 : i32 to vector<16xi32>
        %and3A_470 = arith.andi %bitcast_convert_type3A_457, %and3A_469 : vector<16xi32>
        %or3A_471 = arith.constant 1065353216 : i32
        %or3A_472 = vector.broadcast %or3A_471 : i32 to vector<16xi32>
        %or3A_473 = arith.ori %and3A_470, %or3A_472 : vector<16xi32>
        %bitcast_convert_type3A_474 = tpu.bitcast %or3A_473 : vector<16xi32> -> vector<16xf32>
        %gt3A_475 = arith.constant 1.41421354 : f32
        %gt3A_476 = vector.broadcast %gt3A_475 : f32 to vector<16xf32>
        %gt3A_477 = arith.cmpf ogt, %bitcast_convert_type3A_474, %gt3A_476 : vector<16xf32>
        %mul3A_478 = arith.constant 5.000000e-01 : f32
        %mul3A_479 = vector.broadcast %mul3A_478 : f32 to vector<16xf32>
        %mul3A_480 = arith.mulf %bitcast_convert_type3A_474, %mul3A_479 : vector<16xf32>
        %select_n3A_481 = arith.select %gt3A_477, %mul3A_480, %bitcast_convert_type3A_474 : vector<16xi1>, vector<16xf32>
        %add3A_482 = arith.constant 1.000000e+00 : f32
        %add3A_483 = vector.broadcast %add3A_482 : f32 to vector<16xf32>
        %add3A_484 = arith.addf %sub3A_467, %add3A_483 : vector<16xf32>
        %select_n3A_485 = arith.select %gt3A_477, %add3A_484, %sub3A_467 : vector<16xi1>, vector<16xf32>
        %sub3A_486 = arith.constant 1.000000e+00 : f32
        %sub3A_487 = vector.broadcast %sub3A_486 : f32 to vector<16xf32>
        %sub3A_488 = arith.subf %select_n3A_481, %sub3A_487 : vector<16xf32>
        %add3A_489 = arith.constant 1.000000e+00 : f32
        %add3A_490 = vector.broadcast %add3A_489 : f32 to vector<16xf32>
        %add3A_491 = arith.addf %select_n3A_481, %add3A_490 : vector<16xf32>
        %div3A_492 = arith.divf %sub3A_488, %add3A_491 : vector<16xf32>
        %mul3A_493 = arith.mulf %div3A_492, %div3A_492 : vector<16xf32>
        %mul3A_494 = arith.constant 0.111111112 : f32
        %mul3A_495 = vector.broadcast %mul3A_494 : f32 to vector<16xf32>
        %mul3A_496 = arith.mulf %mul3A_495, %mul3A_493 : vector<16xf32>
        %add3A_497 = arith.constant 0.142857149 : f32
        %add3A_498 = vector.broadcast %add3A_497 : f32 to vector<16xf32>
        %add3A_499 = arith.addf %mul3A_496, %add3A_498 : vector<16xf32>
        %mul3A_500 = arith.mulf %add3A_499, %mul3A_493 : vector<16xf32>
        %add3A_501 = arith.constant 2.000000e-01 : f32
        %add3A_502 = vector.broadcast %add3A_501 : f32 to vector<16xf32>
        %add3A_503 = arith.addf %mul3A_500, %add3A_502 : vector<16xf32>
        %mul3A_504 = arith.mulf %add3A_503, %mul3A_493 : vector<16xf32>
        %add3A_505 = arith.constant 0.333333343 : f32
        %add3A_506 = vector.broadcast %add3A_505 : f32 to vector<16xf32>
        %add3A_507 = arith.addf %mul3A_504, %add3A_506 : vector<16xf32>
        %mul3A_508 = arith.mulf %add3A_507, %mul3A_493 : vector<16xf32>
        %add3A_509 = arith.constant 1.000000e+00 : f32
        %add3A_510 = vector.broadcast %add3A_509 : f32 to vector<16xf32>
        %add3A_511 = arith.addf %mul3A_508, %add3A_510 : vector<16xf32>
        %mul3A_512 = arith.constant 0.693147182 : f32
        %mul3A_513 = vector.broadcast %mul3A_512 : f32 to vector<16xf32>
        %mul3A_514 = arith.mulf %select_n3A_485, %mul3A_513 : vector<16xf32>
        %mul3A_515 = arith.constant 2.000000e+00 : f32
        %mul3A_516 = vector.broadcast %mul3A_515 : f32 to vector<16xf32>
        %mul3A_517 = arith.mulf %mul3A_516, %div3A_492 : vector<16xf32>
        %mul3A_518 = arith.mulf %mul3A_517, %add3A_511 : vector<16xf32>
        %add3A_519 = arith.addf %mul3A_514, %mul3A_518 : vector<16xf32>
        %sub3A_520 = arith.subf %add3A_204, %add3A_330 : vector<16xf32>
        %sub3A_521 = arith.subf %add3A_267, %add3A_330 : vector<16xf32>
        %sub3A_522 = arith.subf %add3A_393, %add3A_519 : vector<16xf32>
        %sub3A_523 = arith.subf %add3A_456, %add3A_519 : vector<16xf32>
        %exp3A_524 = math.exp %sub3A_520 : vector<16xf32>
        %sub3A_525 = arith.subf %sub3A_520, %sub3A_522 : vector<16xf32>
        %mul3A_526 = arith.mulf %exp3A_524, %sub3A_525 : vector<16xf32>
        %exp3A_527 = math.exp %sub3A_521 : vector<16xf32>
        %sub3A_528 = arith.subf %sub3A_521, %sub3A_523 : vector<16xf32>
        %mul3A_529 = arith.mulf %exp3A_527, %sub3A_528 : vector<16xf32>
        %add3A_530 = arith.addf %mul3A_526, %mul3A_529 : vector<16xf32>
        %mul3A_531 = arith.constant 2.500000e-01 : f32
        %mul3A_532 = vector.broadcast %mul3A_531 : f32 to vector<16xf32>
        %mul3A_533 = arith.mulf %add3A_143, %mul3A_532 : vector<16xf32>
        %div3A_534 = arith.divf %mul3A_533, %add3A_121 : vector<16xf32>
        %sub3A_535 = arith.subf %add3A_204, %add3A_393 : vector<16xf32>
        %sub3A_536 = arith.subf %div3A_534, %sub3A_535 : vector<16xf32>
        %mul3A_537 = arith.constant 2.500000e-01 : f32
        %mul3A_538 = vector.broadcast %mul3A_537 : f32 to vector<16xf32>
        %mul3A_539 = arith.mulf %sub3A_146, %mul3A_538 : vector<16xf32>
        %div3A_540 = arith.divf %mul3A_539, %sub3A_144 : vector<16xf32>
        %sub3A_541 = arith.subf %add3A_267, %add3A_456 : vector<16xf32>
        %sub3A_542 = arith.subf %div3A_540, %sub3A_541 : vector<16xf32>
        %mul3A_543 = arith.constant 1.000000e+00 : f32
        %mul3A_544 = vector.broadcast %mul3A_543 : f32 to vector<16xf32>
        %mul3A_545 = arith.mulf %mul3A_544, %add3A_530 : vector<16xf32>
        %mul3A_546 = arith.constant 1.000000e+00 : f32
        %mul3A_547 = vector.broadcast %mul3A_546 : f32 to vector<16xf32>
        %mul3A_548 = arith.mulf %mul3A_547, %sub3A_536 : vector<16xf32>
        %add3A_549 = arith.addf %mul3A_545, %mul3A_548 : vector<16xf32>
        %mul3A_550 = arith.constant 2.000000e+00 : f32
        %mul3A_551 = vector.broadcast %mul3A_550 : f32 to vector<16xf32>
        %mul3A_552 = arith.mulf %mul3A_551, %sub3A_542 : vector<16xf32>
        %add3A_553 = arith.addf %add3A_549, %mul3A_552 : vector<16xf32>
        %add3A_554 = arith.addf %scan3A_56, %add3A_553 : vector<16xf32>
        scf.yield %add3A_554 : vector<16xf32>
      }
      %scan3A_54 = arith.constant 16 : i32
      scf.yield %scan3A_53 : vector<16xf32>
    }
    %scan3A_36 = arith.constant 2 : i32
    %swap3A = arith.constant 0 : index
    %swap3A_37 = tpu.vector_load %arg7[%swap3A] {strides = array<i32>} : memref<16xf32, #tpu.memory_space<vmem>>, vector<16xf32>,
    %swap3A_38 = vector.shape_cast %swap3A_37 : vector<16xf32> to vector<16xf32>
    %swap3A_39 = vector.shape_cast %scan3A_35 : vector<16xf32> to vector<16xf32>
    tpu.vector_store %arg7[%swap3A], %swap3A_39 {strides = array<i32>} : memref<16xf32, #tpu.memory_space<vmem>>, vector<16xf32>,
    "tpu.region"() ({
      %run_scoped3A = tpu.sem_alloc : memref<!tpu.dma_semaphore, #tpu.memory_space<semaphore_mem>>
      %dma_start3A = arith.constant 0 : i32
      %dma_start3A_40 = tpu.memref_slice %arg4[%add3A, %dma_start3A] : memref<32x16xf32, #tpu.memory_space<hbm>> -> memref<1x16xf32, #tpu.memory_space<hbm>>
      %dma_start3A_41 = tpu.memref_squeeze %dma_start3A_40 : memref<1x16xf32, #tpu.memory_space<hbm>> -> memref<16xf32, #tpu.memory_space<hbm>>
      %dma_start3A_42 = arith.constant 0 : i32
      %dma_start3A_43 = tpu.memref_slice %arg4[%add3A, %dma_start3A_42] : memref<32x16xf32, #tpu.memory_space<hbm>> -> memref<1x16xf32, #tpu.memory_space<hbm>>
      %dma_start3A_44 = tpu.memref_squeeze %dma_start3A_43 : memref<1x16xf32, #tpu.memory_space<hbm>> -> memref<16xf32, #tpu.memory_space<hbm>>
      tpu.enqueue_dma source(%arg7 : memref<16xf32, #tpu.memory_space<vmem>>) target(%dma_start3A_44 : memref<16xf32, #tpu.memory_space<hbm>>) target_semaphore(%run_scoped3A : memref<!tpu.dma_semaphore, #tpu.memory_space<semaphore_mem>>)
      %dma_wait3A = arith.constant 0 : i32
      %dma_wait3A_45 = tpu.memref_slice %arg4[%add3A, %dma_wait3A] : memref<32x16xf32, #tpu.memory_space<hbm>> -> memref<1x16xf32, #tpu.memory_space<hbm>>
      %dma_wait3A_46 = tpu.memref_squeeze %dma_wait3A_45 : memref<1x16xf32, #tpu.memory_space<hbm>> -> memref<16xf32, #tpu.memory_space<hbm>>
      %dma_wait3A_47 = arith.constant 0 : i32
      %dma_wait3A_48 = tpu.memref_slice %arg4[%add3A, %dma_wait3A_47] : memref<32x16xf32, #tpu.memory_space<hbm>> -> memref<1x16xf32, #tpu.memory_space<hbm>>
      %dma_wait3A_49 = tpu.memref_squeeze %dma_wait3A_48 : memref<1x16xf32, #tpu.memory_space<hbm>> -> memref<16xf32, #tpu.memory_space<hbm>>
      tpu.wait_dma2 semaphore(%run_scoped3A : memref<!tpu.dma_semaphore, #tpu.memory_space<semaphore_mem>>) src(%arg7 : memref<16xf32, #tpu.memory_space<vmem>>) dst(%dma_wait3A_49 : memref<16xf32, #tpu.memory_space<hbm>>)
      tpu.yield
    }) : () -> ()
    return
  }
}

module attributes {stable_mosaic.version = 14 : i64} {
  func.func @_gdkd_body(%arg0: i32, %arg1: i32, %arg2: memref<1x150x16x128xf32, #tpu.memory_space<vmem>>, %arg3: memref<1x150x16x128xf32, #tpu.memory_space<vmem>>, %arg4: memref<8x128xf32, #tpu.memory_space<vmem>>) attributes {dimension_semantics = [#tpu.dimension_semantics<arbitrary>, #tpu.dimension_semantics<arbitrary>], iteration_bounds = array<i64: 4, 6>, scalar_prefetch = 0 : i64, scratch_operands = 0 : i64, tpu.core_type = #tpu.core_type<tc>, window_params = [{transform_indices = @transform_0, window_bounds = array<i64: 1, 150, 16, 128>}, {transform_indices = @transform_1, window_bounds = array<i64: 1, 150, 16, 128>}, {pipeline_mode = #tpu.pipeline_mode<synchronous>, transform_indices = @transform_2, window_bounds = array<i64: 8, 128>}]} {
    %get3A = arith.constant 0 : index
    %get3A_0 = arith.constant 0 : index
    %get3A_1 = arith.constant 0 : index
    %get3A_2 = arith.constant 0 : index
    %get3A_3 = vector.load %arg3[%get3A, %get3A_0, %get3A_1, %get3A_2] : memref<1x150x16x128xf32, #tpu.memory_space<vmem>>, vector<1x150x16x128xf32>
    %get3A_4 = vector.shape_cast %get3A_3 : vector<1x150x16x128xf32> to vector<150x16x128xf32>
    %mul3A = arith.constant 2.500000e-01 : f32
    %mul3A_5 = vector.broadcast %mul3A : f32 to vector<150x16x128xf32>
    %mul3A_6 = arith.mulf %get3A_4, %mul3A_5 : vector<150x16x128xf32>
    %get3A_7 = arith.constant 0 : index
    %get3A_8 = arith.constant 0 : index
    %get3A_9 = arith.constant 0 : index
    %get3A_10 = arith.constant 0 : index
    %get3A_11 = vector.load %arg2[%get3A_7, %get3A_8, %get3A_9, %get3A_10] : memref<1x150x16x128xf32, #tpu.memory_space<vmem>>, vector<1x150x16x128xf32>
    %get3A_12 = vector.shape_cast %get3A_11 : vector<1x150x16x128xf32> to vector<150x16x128xf32>
    %mul3A_13 = arith.constant 2.500000e-01 : f32
    %mul3A_14 = vector.broadcast %mul3A_13 : f32 to vector<150x16x128xf32>
    %mul3A_15 = arith.mulf %get3A_12, %mul3A_14 : vector<150x16x128xf32>
    %reduce_max3A = arith.constant dense<0xFF800000> : vector<16x128xf32>
    %reduce_max3A_16 = vector.multi_reduction <maximumf>, %mul3A_6, %reduce_max3A [0] : vector<150x16x128xf32> to vector<16x128xf32>
    %broadcast_in_dim3A = vector.shape_cast %reduce_max3A_16 : vector<16x128xf32> to vector<1x16x128xf32>
    %ge3A = vector.broadcast %broadcast_in_dim3A : vector<1x16x128xf32> to vector<150x16x128xf32>
    %ge3A_17 = arith.cmpf oge, %mul3A_6, %ge3A : vector<150x16x128xf32>
    %jit3A = arith.constant -1.000000e+30 : f32
    %broadcast_in_dim3A_18 = vector.broadcast %jit3A : f32 to vector<150x16x128xf32>
    %select_n3A = arith.select %ge3A_17, %broadcast_in_dim3A_18, %mul3A_6 : vector<150x16x128xi1>, vector<150x16x128xf32>
    %reduce_max3A_19 = arith.constant dense<0xFF800000> : vector<16x128xf32>
    %reduce_max3A_20 = vector.multi_reduction <maximumf>, %select_n3A, %reduce_max3A_19 [0] : vector<150x16x128xf32> to vector<16x128xf32>
    %broadcast_in_dim3A_21 = vector.shape_cast %reduce_max3A_20 : vector<16x128xf32> to vector<1x16x128xf32>
    %ge3A_22 = vector.broadcast %broadcast_in_dim3A_21 : vector<1x16x128xf32> to vector<150x16x128xf32>
    %ge3A_23 = arith.cmpf oge, %select_n3A, %ge3A_22 : vector<150x16x128xf32>
    %jit3A_24 = arith.constant -1.000000e+30 : f32
    %broadcast_in_dim3A_25 = vector.broadcast %jit3A_24 : f32 to vector<150x16x128xf32>
    %select_n3A_26 = arith.select %ge3A_23, %broadcast_in_dim3A_25, %select_n3A : vector<150x16x128xi1>, vector<150x16x128xf32>
    %reduce_max3A_27 = arith.constant dense<0xFF800000> : vector<16x128xf32>
    %reduce_max3A_28 = vector.multi_reduction <maximumf>, %select_n3A_26, %reduce_max3A_27 [0] : vector<150x16x128xf32> to vector<16x128xf32>
    %broadcast_in_dim3A_29 = vector.shape_cast %reduce_max3A_28 : vector<16x128xf32> to vector<1x16x128xf32>
    %ge3A_30 = vector.broadcast %broadcast_in_dim3A_29 : vector<1x16x128xf32> to vector<150x16x128xf32>
    %ge3A_31 = arith.cmpf oge, %mul3A_6, %ge3A_30 : vector<150x16x128xf32>
    %sub3A = vector.broadcast %broadcast_in_dim3A : vector<1x16x128xf32> to vector<150x16x128xf32>
    %sub3A_32 = arith.subf %mul3A_6, %sub3A : vector<150x16x128xf32>
    %exp3A = math.exp %sub3A_32 : vector<150x16x128xf32>
    %sub3A_33 = arith.subf %broadcast_in_dim3A_21, %broadcast_in_dim3A : vector<1x16x128xf32>
    %exp3A_34 = math.exp %sub3A_33 : vector<1x16x128xf32>
    %add3A = arith.constant 1.000000e+00 : f32
    %add3A_35 = vector.broadcast %add3A : f32 to vector<1x16x128xf32>
    %add3A_36 = arith.addf %add3A_35, %exp3A_34 : vector<1x16x128xf32>
    %sub3A_37 = arith.subf %broadcast_in_dim3A_29, %broadcast_in_dim3A : vector<1x16x128xf32>
    %exp3A_38 = math.exp %sub3A_37 : vector<1x16x128xf32>
    %add3A_39 = arith.addf %add3A_36, %exp3A_38 : vector<1x16x128xf32>
    %reduce_sum3A = arith.constant dense<0.000000e+00> : vector<16x128xf32>
    %reduce_sum3A_40 = vector.multi_reduction <add>, %exp3A, %reduce_sum3A [0] : vector<150x16x128xf32> to vector<16x128xf32>
    %broadcast_in_dim3A_41 = vector.shape_cast %reduce_sum3A_40 : vector<16x128xf32> to vector<1x16x128xf32>
    %sub3A_42 = arith.subf %broadcast_in_dim3A_41, %add3A_39 : vector<1x16x128xf32>
    %reduce_max3A_43 = arith.constant dense<0xFF800000> : vector<16x128xf32>
    %reduce_max3A_44 = vector.multi_reduction <maximumf>, %mul3A_15, %reduce_max3A_43 [0] : vector<150x16x128xf32> to vector<16x128xf32>
    %broadcast_in_dim3A_45 = vector.shape_cast %reduce_max3A_44 : vector<16x128xf32> to vector<1x16x128xf32>
    %sub3A_46 = vector.broadcast %broadcast_in_dim3A_45 : vector<1x16x128xf32> to vector<150x16x128xf32>
    %sub3A_47 = arith.subf %mul3A_15, %sub3A_46 : vector<150x16x128xf32>
    %exp3A_48 = math.exp %sub3A_47 : vector<150x16x128xf32>
    %jit3A_49 = arith.constant 0.000000e+00 : f32
    %broadcast_in_dim3A_50 = vector.broadcast %jit3A_49 : f32 to vector<150x16x128xf32>
    %select_n3A_51 = arith.select %ge3A_31, %exp3A_48, %broadcast_in_dim3A_50 : vector<150x16x128xi1>, vector<150x16x128xf32>
    %reduce_sum3A_52 = arith.constant dense<0.000000e+00> : vector<16x128xf32>
    %reduce_sum3A_53 = vector.multi_reduction <add>, %select_n3A_51, %reduce_sum3A_52 [0] : vector<150x16x128xf32> to vector<16x128xf32>
    %broadcast_in_dim3A_54 = vector.shape_cast %reduce_sum3A_53 : vector<16x128xf32> to vector<1x16x128xf32>
    %reduce_sum3A_55 = arith.constant dense<0.000000e+00> : vector<16x128xf32>
    %reduce_sum3A_56 = vector.multi_reduction <add>, %exp3A_48, %reduce_sum3A_55 [0] : vector<150x16x128xf32> to vector<16x128xf32>
    %broadcast_in_dim3A_57 = vector.shape_cast %reduce_sum3A_56 : vector<16x128xf32> to vector<1x16x128xf32>
    %sub3A_58 = arith.subf %broadcast_in_dim3A_57, %broadcast_in_dim3A_54 : vector<1x16x128xf32>
    %sub3A_59 = arith.subf %mul3A_6, %mul3A_15 : vector<150x16x128xf32>
    %mul3A_60 = arith.mulf %exp3A, %sub3A_59 : vector<150x16x128xf32>
    %jit3A_61 = arith.constant 0.000000e+00 : f32
    %broadcast_in_dim3A_62 = vector.broadcast %jit3A_61 : f32 to vector<150x16x128xf32>
    %select_n3A_63 = arith.select %ge3A_31, %mul3A_60, %broadcast_in_dim3A_62 : vector<150x16x128xi1>, vector<150x16x128xf32>
    %reduce_sum3A_64 = arith.constant dense<0.000000e+00> : vector<16x128xf32>
    %reduce_sum3A_65 = vector.multi_reduction <add>, %select_n3A_63, %reduce_sum3A_64 [0] : vector<150x16x128xf32> to vector<16x128xf32>
    %broadcast_in_dim3A_66 = vector.shape_cast %reduce_sum3A_65 : vector<16x128xf32> to vector<1x16x128xf32>
    %reduce_sum3A_67 = arith.constant dense<0.000000e+00> : vector<16x128xf32>
    %reduce_sum3A_68 = vector.multi_reduction <add>, %mul3A_60, %reduce_sum3A_67 [0] : vector<150x16x128xf32> to vector<16x128xf32>
    %broadcast_in_dim3A_69 = vector.shape_cast %reduce_sum3A_68 : vector<16x128xf32> to vector<1x16x128xf32>
    %sub3A_70 = arith.subf %broadcast_in_dim3A_69, %broadcast_in_dim3A_66 : vector<1x16x128xf32>
    %log3A = math.log %add3A_39 : vector<1x16x128xf32>
    %log3A_71 = math.log %sub3A_42 : vector<1x16x128xf32>
    %log3A_72 = math.log %broadcast_in_dim3A_41 : vector<1x16x128xf32>
    %log3A_73 = math.log %broadcast_in_dim3A_54 : vector<1x16x128xf32>
    %log3A_74 = math.log %sub3A_58 : vector<1x16x128xf32>
    %log3A_75 = math.log %broadcast_in_dim3A_57 : vector<1x16x128xf32>
    %sub3A_76 = arith.subf %log3A, %log3A_72 : vector<1x16x128xf32>
    %sub3A_77 = arith.subf %log3A_71, %log3A_72 : vector<1x16x128xf32>
    %sub3A_78 = arith.subf %log3A_73, %log3A_75 : vector<1x16x128xf32>
    %sub3A_79 = arith.subf %log3A_74, %log3A_75 : vector<1x16x128xf32>
    %exp3A_80 = math.exp %sub3A_76 : vector<1x16x128xf32>
    %sub3A_81 = arith.subf %sub3A_76, %sub3A_78 : vector<1x16x128xf32>
    %mul3A_82 = arith.mulf %exp3A_80, %sub3A_81 : vector<1x16x128xf32>
    %exp3A_83 = math.exp %sub3A_77 : vector<1x16x128xf32>
    %sub3A_84 = arith.subf %sub3A_77, %sub3A_79 : vector<1x16x128xf32>
    %mul3A_85 = arith.mulf %exp3A_83, %sub3A_84 : vector<1x16x128xf32>
    %add3A_86 = arith.addf %mul3A_82, %mul3A_85 : vector<1x16x128xf32>
    %sub3A_87 = arith.subf %broadcast_in_dim3A, %broadcast_in_dim3A_45 : vector<1x16x128xf32>
    %div3A = arith.divf %broadcast_in_dim3A_66, %add3A_39 : vector<1x16x128xf32>
    %sub3A_88 = arith.subf %log3A, %log3A_73 : vector<1x16x128xf32>
    %add3A_89 = arith.addf %sub3A_88, %sub3A_87 : vector<1x16x128xf32>
    %sub3A_90 = arith.subf %div3A, %add3A_89 : vector<1x16x128xf32>
    %div3A_91 = arith.divf %sub3A_70, %sub3A_42 : vector<1x16x128xf32>
    %sub3A_92 = arith.subf %log3A_71, %log3A_74 : vector<1x16x128xf32>
    %add3A_93 = arith.addf %sub3A_92, %sub3A_87 : vector<1x16x128xf32>
    %sub3A_94 = arith.subf %div3A_91, %add3A_93 : vector<1x16x128xf32>
    %mul3A_95 = arith.constant 1.000000e+00 : f32
    %mul3A_96 = vector.broadcast %mul3A_95 : f32 to vector<1x16x128xf32>
    %mul3A_97 = arith.mulf %mul3A_96, %add3A_86 : vector<1x16x128xf32>
    %mul3A_98 = arith.constant 1.000000e+00 : f32
    %mul3A_99 = vector.broadcast %mul3A_98 : f32 to vector<1x16x128xf32>
    %mul3A_100 = arith.mulf %mul3A_99, %sub3A_90 : vector<1x16x128xf32>
    %add3A_101 = arith.addf %mul3A_97, %mul3A_100 : vector<1x16x128xf32>
    %mul3A_102 = arith.constant 2.000000e+00 : f32
    %mul3A_103 = vector.broadcast %mul3A_102 : f32 to vector<1x16x128xf32>
    %mul3A_104 = arith.mulf %mul3A_103, %sub3A_94 : vector<1x16x128xf32>
    %add3A_105 = arith.addf %add3A_101, %mul3A_104 : vector<1x16x128xf32>
    %squeeze3A = vector.shape_cast %add3A_105 : vector<1x16x128xf32> to vector<16x128xf32>
    %reshape3A = vector.shape_cast %squeeze3A : vector<16x128xf32> to vector<2x8x128xf32>
    %reduce_sum3A_106 = arith.constant dense<0.000000e+00> : vector<8x128xf32>
    %reduce_sum3A_107 = vector.multi_reduction <add>, %reshape3A, %reduce_sum3A_106 [0] : vector<2x8x128xf32> to vector<8x128xf32>
    %eq3A = arith.constant 0 : i32
    %eq3A_108 = arith.cmpi eq, %arg0, %eq3A : i32
    %eq3A_109 = arith.constant 0 : i32
    %eq3A_110 = arith.cmpi eq, %arg1, %eq3A_109 : i32
    %and3A = arith.andi %eq3A_108, %eq3A_110 : i1
    %convert_element_type3A = arith.extui %and3A : i1 to i32
    %cond3A = arith.constant 0 : i32
    %cond3A_111 = arith.cmpi ne, %convert_element_type3A, %cond3A : i32
    scf.if %cond3A_111 {
      %broadcast_in_dim3A_118 = arith.constant 0.000000e+00 : f32
      %broadcast_in_dim3A_119 = vector.broadcast %broadcast_in_dim3A_118 : f32 to vector<8x128xf32>
      %swap3A_120 = arith.constant 0 : index
      %swap3A_121 = arith.constant 0 : index
      %swap3A_122 = vector.load %arg4[%swap3A_120, %swap3A_121] : memref<8x128xf32, #tpu.memory_space<vmem>>, vector<8x128xf32>
      tpu.vector_store %arg4[%swap3A_120, %swap3A_121], %broadcast_in_dim3A_119 {strides = array<i32>} : memref<8x128xf32, #tpu.memory_space<vmem>>, vector<8x128xf32>,
    } else {
    }
    %get3A_112 = arith.constant 0 : index
    %get3A_113 = arith.constant 0 : index
    %get3A_114 = vector.load %arg4[%get3A_112, %get3A_113] : memref<8x128xf32, #tpu.memory_space<vmem>>, vector<8x128xf32>
    %add3A_115 = arith.addf %get3A_114, %reduce_sum3A_107 : vector<8x128xf32>
    %swap3A = arith.constant 0 : index
    %swap3A_116 = arith.constant 0 : index
    %swap3A_117 = vector.load %arg4[%swap3A, %swap3A_116] : memref<8x128xf32, #tpu.memory_space<vmem>>, vector<8x128xf32>
    tpu.vector_store %arg4[%swap3A, %swap3A_116], %add3A_115 {strides = array<i32>} : memref<8x128xf32, #tpu.memory_space<vmem>>, vector<8x128xf32>,
    return
  }
  func.func @transform_0(%arg0: i32, %arg1: i32) -> (i32, i32, i32, i32) {
    %c0_i32 = arith.constant 0 : i32
    %c0_i32_0 = arith.constant 0 : i32
    %c0_i32_1 = arith.constant 0 : i32
    return %arg0, %c0_i32, %arg1, %c0_i32_0 : i32, i32, i32, i32
  }
  func.func @transform_1(%arg0: i32, %arg1: i32) -> (i32, i32, i32, i32) {
    %c0_i32 = arith.constant 0 : i32
    %c0_i32_0 = arith.constant 0 : i32
    %c0_i32_1 = arith.constant 0 : i32
    return %arg0, %c0_i32, %arg1, %c0_i32_0 : i32, i32, i32, i32
  }
  func.func @transform_2(%arg0: i32, %arg1: i32) -> (i32, i32) {
    %c0_i32 = arith.constant 0 : i32
    %c0_i32_0 = arith.constant 0 : i32
    %c0_i32_1 = arith.constant 0 : i32
    return %c0_i32, %c0_i32_0 : i32, i32
  }
}

</mosaic_0001>

<sc_bundles>
// kernel: kernel.4.cloned.1.call-start
scs
__scs_entry_jumppad:
0x0: {  	(pc) =	sbr.rel $0x88, $3  }
0x1: {  	(tag) =	ssettag $0x0;
	lr =	simm.s32 $0x1  }
0x2: {  	[smem:$0x3F9F] =	sst lr;
	_ =	strace $0xD0000000  }
0x3: {  	_ = 	snop  }
0x4: {  	_ = 	snop  }
0x5: {  	_ = 	snop  }
0x6: {  	_ = 	snop  }
0x7: {  	_ = 	snop  }
__scs_overlays_trampoline_lowered:
0x8: {  	[smem:$0x3FAE] =	sst s0  }
0x9: {  	[smem:$0x3FAF] =	sst s1  }
0xa: {  	[smem:$0x3FB0] =	sst s2  }
0xb: {  	[smem:$0x3FB1] =	sst s3  }
0xc: {  	[smem:$0x3FB2] =	sst s4  }
0xd: {  	[smem:$0x3FB3] =	sst s5  }
0xe: {  	[smem:$0x3FB4] =	sst s6  }
0xf: {  	[smem:$0x3FB5] =	sst s7  }
0x10: {  	[smem:$0x3FB6] =	sst s8  }
0x11: {  	[smem:$0x3FB7] =	sst s9;
	s0 =	simm.s32 @!p0 $0x0  }
0x12: {  	s1 =	sld [smem:$0x3F9D];
	s0 =	simm.s32 @p0 $0x1  }
0x13: {  	[smem:$0x3FB8] =	sst s0;
	s0 =	simm.s32 @!p1 $0x0  }
0x14: {  	s2 =	sld [smem:$0x3F9C];
	s0 =	simm.s32 @p1 $0x1  }
0x15: {  	[smem:$0x3FB9] =	sst s0;
	s0 =	simm.s32 @!p2 $0x0  }
0x16: {  	s3 =	sld [smem:$0x3FDB];
	s0 =	simm.s32 @p2 $0x1  }
0x17: {  	s4 =	simm.s32 $0x1BF5;
	[smem:$0x3FBB] =	sst s0  }
0x18: {  	s0 =	sld [smem:$0x3F9E];
	_ =	swait.ge [sflag:s4], $0x0  }
0x19: {  	s7 =	sld [smem:$0x3F9F]  }
0x1a: {  	s8 =	sadd.s32 $0xFFFFE003, lr  }
0x1b: {  	s9 =	sadd.s32 $0xFFFFFEF7, lr;
	s5 =	simm.s32 $0xFFFFFFFF;
	p2 =	slt.u32 s8, $0xFFFFF086  }
0x1c: {  	p1 =	slt.u32 s9, $0xF7A;
	s5 =	simm.s32 @!p2 $0x0  }
0x1d: {  	s5 =	simm.s32 @p1 $0x1;
	p0 =	seq.s32 s7, s2  }
0x1e: {  	s7 =	smul.u32 @!p0 $0xF7A, s2;
	p2 =	seq.s32 @!p0 s5, $0x0  }
0x1f: {  	s9 =	smul.u32 $0xF7A, s1;
	s8 =	simm.s32 @!p0 $0x1BF5;
	p2 =	por !p2, p0  }
0x20: {  	[sflag:s8] =	ssyncset.s32 @!p0 $0xFFFFF086;
	s6 =	sadd.s32 @!p0 s3, s7;
	s7 =	simm.s32 @!p0 $0x108  }
0x21: {  	s3 =	sadd.s32 s3, s9;
	s6 =	sadd.s32 @!p0 $0x88, s6;
	s7 =	simm.s32 @p2 $0x1082  }
0x22: {  	[simem:s7], [sflag:s8] =	dma.local @!p0 [hbm:s6], $0xF7A  }
0x23: {  	s9 =	sor.u32 $0xD0000000, s2;
	s6 =	simm.s32 $0x108;
	_ =	swait.ge @!p0 [sflag:s8], $0x0  }
0x24: {  	s3 =	sadd.s32 $0x88, s3;
	s6 =	simm.s32 @!p1 $0x1082;
	[sflag:s4] =	ssyncset.s32 $0xFFFFF086  }
0x25: {  	[simem:s6], [sflag:s4] =	dma.local [hbm:s3], $0xF7A  }
0x26: {  	[smem:$0x3F9F] =	sst s1;
	(tag) =	ssettag s2;
	_ =	strace s9  }
0x27: {  	s1 =	sld [smem:$0x3FAF]  }
0x28: {  	s2 =	sld [smem:$0x3FB0]  }
0x29: {  	s4 =	sld [smem:$0x3FB2]  }
0x2a: {  	p0 =	seq.s32 s5, $0x0;
	s5 =	sld [smem:$0x3FB3]  }
0x2b: {  	s6 =	sld [smem:$0x3FB4]  }
0x2c: {  	s7 =	sld [smem:$0x3FB5]  }
0x2d: {  	s3 =	simm.s32 $0x108;
	s8 =	sld [smem:$0x3FB6]  }
0x2e: {  	s3 =	simm.s32 @!p0 $0x1082;
	s9 =	sld [smem:$0x3FB7]  }
0x2f: {  	lr =	sadd.s32 s0, s3;
	s0 =	sld [smem:$0x3FAE]  }
0x30: {  	s3 =	sld [smem:$0x3FB1]  }
0x31: {  	[smem:$0x3FBA] =	sst s10  }
0x32: {  	s10 =	sld [smem:$0x3FB8];
	_ =	sdelay $0x3  }
0x33: {  	p0 =	seq.s32 s10, $0x1;
	s10 =	sld [smem:$0x3FBA];
	_ =	sdelay $0x3  }
0x34: {  	[smem:$0x3FBA] =	sst s10  }
0x35: {  	s10 =	sld [smem:$0x3FB9];
	_ =	sdelay $0x3  }
0x36: {  	p1 =	seq.s32 s10, $0x1;
	s10 =	sld [smem:$0x3FBA];
	_ =	sdelay $0x3  }
0x37: {  	[smem:$0x3FBA] =	sst s10  }
0x38: {  	s10 =	sld [smem:$0x3FBB]  }
0x39: {  	_ = 	snop;
	(pc) =	sbr.ind lr, $3  }
0x3a: {  	_ = 	snop  }
0x3b: {  	_ = 	snop  }
0x3c: {  	p2 =	seq.s32 s10, $0x1;
	s10 =	sld [smem:$0x3FBA]  }
0x3d: {  	_ =	shalt  }
0x3e: {  	_ =	shalt  }
0x3f: {  	_ =	shalt  }
0x40: {  	_ =	shalt  }
0x41: {  	_ =	shalt  }
0x42: {  	_ =	shalt  }
0x43: {  	_ =	shalt  }
0x44: {  	_ =	shalt  }
0x45: {  	_ =	shalt  }
0x46: {  	_ =	shalt  }
0x47: {  	_ =	shalt  }
0x48: {  	_ =	shalt  }
0x49: {  	_ =	shalt  }
0x4a: {  	_ =	shalt  }
0x4b: {  	_ =	shalt  }
0x4c: {  	_ =	shalt  }
0x4d: {  	_ =	shalt  }
0x4e: {  	_ =	shalt  }
0x4f: {  	_ =	shalt  }
0x50: {  	_ =	shalt  }
0x51: {  	_ =	shalt  }
0x52: {  	_ =	shalt  }
0x53: {  	_ =	shalt  }
0x54: {  	_ =	shalt  }
0x55: {  	_ =	shalt  }
0x56: {  	_ =	shalt  }
0x57: {  	_ =	shalt  }
0x58: {  	_ =	shalt  }
0x59: {  	_ =	shalt  }
0x5a: {  	_ =	shalt  }
0x5b: {  	_ =	shalt  }
0x5c: {  	_ =	shalt  }
0x5d: {  	_ =	shalt  }
0x5e: {  	_ =	shalt  }
0x5f: {  	_ =	shalt  }
0x60: {  	_ =	shalt  }
0x61: {  	_ =	shalt  }
0x62: {  	_ =	shalt  }
0x63: {  	_ =	shalt  }
0x64: {  	_ =	shalt  }
0x65: {  	_ =	shalt  }
0x66: {  	_ =	shalt  }
0x67: {  	_ =	shalt  }
0x68: {  	_ =	shalt  }
0x69: {  	_ =	shalt  }
0x6a: {  	_ =	shalt  }
0x6b: {  	_ =	shalt  }
0x6c: {  	_ =	shalt  }
0x6d: {  	_ =	shalt  }
0x6e: {  	_ =	shalt  }
0x6f: {  	_ =	shalt  }
0x70: {  	_ =	shalt  }
0x71: {  	_ =	shalt  }
0x72: {  	_ =	shalt  }
0x73: {  	_ =	shalt  }
0x74: {  	_ =	shalt  }
0x75: {  	_ =	shalt  }
0x76: {  	_ =	shalt  }
0x77: {  	_ =	shalt  }
0x78: {  	_ =	shalt  }
0x79: {  	_ =	shalt  }
0x7a: {  	_ =	shalt  }
0x7b: {  	_ =	shalt  }
0x7c: {  	_ =	shalt  }
0x7d: {  	_ =	shalt  }
0x7e: {  	_ =	shalt  }
0x7f: {  	_ =	shalt  }
0x80: {  	_ =	shalt  }
0x81: {  	_ =	shalt  }
0x82: {  	_ =	shalt  }
0x83: {  	_ =	shalt  }
0x84: {  	_ =	shalt  }
0x85: {  	_ =	shalt  }
0x86: {  	_ =	shalt  }
0x87: {  	_ =	shalt  }
.Lfunc_end0:
.L_simem_size_0:
called_computation_lowered:
.L_overlay_start_0:
0x88: {  	s2 =	sld [smem:$0x3FD9]  }
0x89: {  	s3 =	sld [smem:$0x3FFE];
	_ =	sdelay $0x1  }
0x8a: {  	s1 =	srdreg.scid  }
0x8b: {  	s0 =	sand.u32 $0x1, s1  }
0x8c: {  	s17 =	sshll.u32 s0, $0xA;
	s2 =	sadd.s32 s3, s2  }
0x8d: {  	s2 =	sadd.s32 s2, s17  }
0x8e: {  	[smem:$0x3FC6] =	sst s2  }
0x8f: {  	_ = 	snop  }
0x90: {  	s2 =	sld [smem:$0x3FC9]  }
0x91: {  	s18 =	sld [smem:$0x3FC8];
	(tm) =	ssettm $0x1  }
0x92: {  	s4 =	sld [smem:$0x3FFB];
	_ =	sdelay $0x3  }
0x93: {  	_ =	strace s4  }
0x94: {  	s4 =	sld [smem:$0x3FFC];
	_ =	sdelay $0x3  }
0x95: {  	_ =	strace s4  }
0x96: {  	s4 =	sld [smem:$0x3FFD];
	_ =	sdelay $0x3  }
0x97: {  	_ =	strace s4  }
0x98: {  	_ =	strace $0x8FFFFFFF  }
0x99: {  	s19 =	sld [smem:$0x3FDB];
	_ =	sdelay $0x1  }
0x9a: {  	s5 =	simm.s32 $_scs_section_size  }
0x9b: {  	s6 =	simm.s32 $_size__tile_overlayer_lowered;
	s7 =	simm.s32 $_tile_overlayer_lowered  }
0x9c: {  	s22 =	simm.s32 $0x1BFF;
	s21 =	sshll.u32 s7, $0x1;
	s4 =	sadd.s32 s5, s19  }
0x9d: {  	s8 =	simm.s32 $0x0;
	s20 =	sshll.u32 s6, $0x1;
	s6 =	sadd.s32 s21, s4  }
0x9e: {  	[timem:s8], [sflag:s22] =	dma.local [hbm:s6], s20  }
0x9f: {  	_ =	swait.ge [sflag:s22], s20  }
0xa0: {  	s5 =	ssub.s32 $0x0, s20;
	[sflag:s22] =	ssyncset.done $0x0  }
0xa1: {  	[sflag:s22] =	ssyncadd.s32 s5;
	_ =	sdelay $0x1  }
0xa2: {  	s23 =	simm.s32 $0x1B8B  }
0xa3: {  	_ =	swait.ge [sflag:s23], $0x1  }
0xa4: {  	[sflag:s23] =	ssyncset.done $0x0  }
0xa5: {  	s25 =	simm.s32 $0x1B8E;
	s24 =	sld [smem:$0x3FFE];
	[sflag:s23] =	ssyncadd.s32 $0xFFFFFFFF  }
0xa6: {  	s26 =	simm.s32 $execute0_lowered;
	[smem:$0x3FD2] =	sst s25  }
0xa7: {  	s6 =	sshll.u32 s26, $0x1;
	_ =	strace $0x80000046;
	[dreg:$0x1] =	wrdreg $0xFFFFFFFF  }
0xa8: {  	s28 =	simm.s32 $_size_execute0_lowered;
	s4 =	sadd.s32 s4, s6;
	[dreg:$0x0] =	wrdreg $0x0  }
0xa9: {  	s6 =	sshll.u32 s28, $0x1;
	[dreg:$0x2] =	wrdreg s4  }
0xaa: {  	[dreg:$0x3] =	wrdreg s6  }
0xab: {  	[dreg:$0x4] =	wrdreg $0xC0  }
0xac: {  	_ =	task [dreg:s8], $0x5FFFF  }
0xad: {  	[dreg:$0x1] =	wrdreg $0xFFFFFFFF  }
0xae: {  	[dreg:$0x0] =	wrdreg $0x60  }
0xaf: {  	[dreg:$0x2] =	wrdreg s2  }
0xb0: {  	[dreg:$0x3] =	wrdreg s18  }
0xb1: {  	[dreg:$0x4] =	wrdreg s24  }
0xb2: {  	[dreg:$0x5] =	wrdreg $0x9  }
0xb3: {  	_ =	task.clear_ibuf [dreg:s8], $0x6FFFF;
	_ =	strace $0x90000046  }
0xb4: {  	s29 =	simm.s32 $0x9;
	_ =	strace $0x80000048  }
0xb5: {  	_ =	swait.ge [sflag:s29], $0x1  }
0xb6: {  	[sflag:s29] =	ssyncadd.s32 $0xFFFFFFFF  }
0xb7: {  	_ =	strace $0x90000048  }
0xb8: {  	_ =	sfence  }
0xb9: {  	s30 =	sld [smem:$0x0];
	_ =	sdelay $0x2  }
0xba: {  	s31 =	sshll.u32 s1, $0xD;
	s1 =	sshrl.u32 s1, $0x2  }
0xbb: {  	s3 =	sand.u32 $0x4000, s31;
	s1 =	sadd.s32 s1, s30  }
0xbc: {  	s0 =	sor.u32 s3, s0;
	s1 =	sshll.u32 s1, $0x11  }
0xbd: {  	s0 =	sor.u32 s1, s0  }
0xbe: {  	s0 =	sadd.s32 $0x8F2B, s0  }
0xbf: {  	[sflag:s0] =	ssyncadd.remote.s32 $0x1  }
0xc0: {  	_ =	sfence.sel $0xFFFF  }
0xc1: {  	[dreg:$0x0] =	wrdreg $0xFFFFFFFF;
	(pc) =	sbr.abs _section_cstart, $3  }
0xc2: {  	[dreg:$0x1] =	wrdreg $0xFFFFFFFF  }
0xc3: {  	_ =	task.clear_ibuf [dreg:s8], $0x2FFFF;
	_ =	strace $0x9FFFFFFF  }
0xc4: {  	(tm) =	ssettm $0x7FFFFFFF  }
0xc5: {  	_ =	shalt  }
tec
execute0_lowered:
.L_overlay_start_1:
0x0: {  	(tag) =	ssettag $0x1  }
0x1: {  	s1 =	rddreg [dreg:$0x0]  }
0x2: {  	s3 =	rddreg [dreg:$0x1]  }
0x3: {  	s5 =	rddreg [dreg:$0x2]  }
0x4: {  	s0 =	rddreg [dreg:$0x3]  }
0x5: {  	s6 =	srdreg.scid;
	s2 =	stileid.u32  }
0x6: {  	s4 =	simm.s32 $0x0;
	s11 =	simm.s32 $0x12C00;
	s12 =	simm.s32 $0x0  }
0x7: {  	s6 =	sand.u32 $0x1, s6;
	s7 =	sshrl.u32 s2, $0x2;
	[smem:$0x7FF] =	sst s4  }
0x8: {  	s10 =	sshll.u32 s2, $0xA;
	s31 =	sshll.u32 s2, $0x5;
	s8 =	ssub.s32 $0x2, s6  }
0x9: {  	s7 =	smul.u32 $0x258000, s7;
	s30 =	sshll.u32 s6, $0x9;
	s6 =	sshll.u32 s6, $0x4  }
0xa: {  	_ =	strace $0x80000047;
	s9 =	sshrl.u32 s8, $0x1;
	s6 =	sadd.s32 s5, s6  }
0xb: {  	s7 =	sor.u32 s7, s10;
	s8 =	ssub.s32 s8, s9;
	s6 =	sadd.s32 s31, s6  }
0xc: {  	s9 =	simm.s32 $0x4000;
	s10 =	simm.s32 $0x1;
	s7 =	sor.u32 s30, s7  }
0xd: {  	s5 =	sor.u32 $0x3000, s7;
	s7 =	smax.u32 s8, $0x1;
	s8 =	simm.s32 $0x100  }
.LBB2_1:
0xe: {  	p1 =	por $0x1, $0x1;
	v0 =	vimm.f32 $0.0e+00;
	s13 =	simm.s32 $0x0  }
.LBB2_2:
0xf: {  	s13 =	sor.u32 s5, s13  }
0x10: {  	s14 =	sshrl.u32 s13, $0x3  }
0x11: {  	s13 =	simm.s32 $0x0;
	s15 =	sadd.s32 s3, s14  }
0x12: {  	[tilespmem:s13], [sflag:$0x1] =	stream.strided.gather [hbm4b:s15+s8], $0x9600, s9, s8, $0x38;
	[tilespmem:$0x12C80] =	vst v63  }
0x13: {  	_ =	swait.ge [sflag:s10], $0x9600  }
0x14: {  	[sflag:s10] =	ssyncset.done $0x0  }
0x15: {  	s31 =	sadd.s32 s1, s14;
	s14 =	simm.s32 $0x9600;
	[sflag:s10] =	ssyncadd.s32 $0xFFFF6A00  }
0x16: {  	[tilespmem:s14], [sflag:$0x1] =	stream.strided.gather [hbm4b:s31+s8], $0x9600, s9, s8, $0x38;
	[tilespmem:$0x12C80] =	vst v63  }
0x17: {  	_ =	swait.ge [sflag:s10], $0x9600  }
0x18: {  	[sflag:s10] =	ssyncset.done $0x0  }
0x19: {  	p0 =	por p1, p1;
	s15 =	simm.s32 $0x0;
	[sflag:s10] =	ssyncadd.s32 $0xFFFF6A00  }
.LBB2_3:
0x1a: {  	v1 =	vmov s13;
	_ =	sdelay $0x3  }
0x1b: {  	s16 =	simm.s32 $0x0  }
0x1c: {  	v2 =	vmov s14;
	v3 =	vld.idx.msk [tilespmem:v1+s16+$0x0 ss:$0x1], $0xffff;
	_ =	sdelay $0x4  }
0x1d: {  	s31 =	simm.s32 $0x100;
	v9 =	vld.idx.msk [tilespmem:v2+s16+$0x0 ss:$0x1], $0xffff;
	v4 =	vmul.f32 $2.500000000e-01, v3  }
0x1e: {  	v8 =	vld.idx.msk [tilespmem:v2+s31+$0x0 ss:$0x1], $0xffff  }
0x1f: {  	v4 =	vmul.f32 $1.442695020e+00, v4;
	_ =	sdelay $0x1  }
0x20: {  	(erf) = vpow2.f32 v4  }
0x21: {  	v5 =	vimm.f32 $-1.000000020e+30;
	v7 =	vimm.f32 $0.0e+00;
	v6 =	vld.idx.msk [tilespmem:v1+s31+$0x0 ss:$0x1], $0xffff;
	v10 =	vmul.f32 $2.500000000e-01, v9  }
0x22: {  	vm0 =	vgt.f32 v3, v5;
	vm1 =	vgt.f32 v3, v5;
	v17 =	vmul.f32 $2.500000000e-01, v8  }
0x23: {  	v11 =	vsel vm0, v9, v7;
	v12 =	vsel vm0, v9, v7;
	v10 =	vmul.f32 $1.442695020e+00, v10  }
0x24: {  	v13 =	vsel vm0, v3, v5;
	v14 =	vsel vm1, v3, v5;
	v12 =	vsel vm0, v7, v12  }
0x25: {  	v18 =	vmul.f32 $1.442695020e+00, v17;
	v4 =	vsel vm0, v3, v5;
	(erf) = vpow2.f32 v10  }
0x26: {  	v4 =	vsel vm0, v5, v4;
	v10 =	vsel vm1, v5, v13;
	v5 =	vmul.f32 $2.500000000e-01, v6  }
0x27: {  	v3 =	vsub.f32 v3, v9;
	vm2 =	vgt.f32 v6, v10;
	vm0 =	vgt.f32 v6, v4  }
0x28: {  	s17 =	simm.s32 $0x200;
	v15 =	vmul.f32 $1.442695020e+00, v5;
	v4 =	vsel vm0, v6, v4;
	v12 =	vsel vm0, v8, v12  }
0x29: {  	v13 =	vld.idx.msk [tilespmem:v1+s17+$0x0 ss:$0x1], $0xffff;
	vm0 =	vgt.f32 v6, v14;
	v5 =	vsel vm2, v10, v4;
	v4 =	vsel vm1, v9, v7;
	v9 =	vpop (erf)  }
0x2a: {  	v10 =	vsel vm2, v6, v10;
	(erf) = vpow2.f32 v15;
	v15 =	vadd.f32 v9, v7  }
0x2b: {  	v3 =	vmul.f32 v9, v3;
	v9 =	vsel vm0, v14, v10;
	v10 =	vsel vm0, v6, v14;
	v14 =	vld.idx.msk [tilespmem:v2+s17+$0x0 ss:$0x1], $0xffff  }
0x2c: {  	v11 =	vsel vm1, v7, v11  }
0x2d: {  	v16 =	vsel vm2, v8, v11;
	v17 =	vsel vm2, v11, v12;
	(erf) = vpow2.f32 v18  }
0x2e: {  	s16 =	simm.s32 $0xC00;
	v11 =	vmul.f32 $2.500000000e-01, v13;
	v18 =	vpop (erf);
	vm1 =	vgt.f32 v13, v9;
	v3 =	vadd.f32 v3, v7  }
.LBB2_4:
0x2f: {  	s17 =	sshra.s32 s16, $0x2;
	p1 =	sne.s32 s16, $0x25400;
	s16 =	sadd.s32 $0x400, s16;
	vm2 =	vgt.f32 v13, v5;
	v12 =	vsel vm0, v4, v16;
	v7 =	vadd.f32 v18, v7;
	v18 =	vmovc v13  }
0x30: {  	v19 =	vmovc v14;
	v13 =	vld.idx.msk [tilespmem:v1+s17+$0x0 ss:$0x1], $0xffff;
	v11 =	vmul.f32 $1.442695020e+00, v11;
	v5 =	vsel vm2, v18, v5;
	v16 =	vsel vm1, v14, v12  }
0x31: {  	v4 =	vsel vm0, v8, v4;
	v20 =	vmul.f32 $2.500000000e-01, v19;
	v14 =	vld.idx.msk [tilespmem:v2+s17+$0x0 ss:$0x1], $0xffff;
	v5 =	vsel vm1, v9, v5  }
.Ltmp0:
0x32: {  	v17 =	vsel vm2, v19, v17;
	(erf) = vpow2.f32 v11;
	v11 =	vsub.f32 v6, v8;
	v6 =	vmovc v18;
	v8 =	vmovc v19;
	(pc) =	sbr.rel @p1 .LBB2_4-.Ltmp0, $4  }
0x33: {  	v17 =	vsel vm1, v12, v17;
	v19 =	vmul.f32 $1.442695020e+00, v20;
	vm0 =	vgt.f32 v6, v10;
	v12 =	vpop (erf)  }
0x34: {  	v9 =	vsel vm1, v6, v9;
	v15 =	vadd.f32 v12, v15;
	v12 =	vmul.f32 v12, v11  }
0x35: {  	v9 =	vsel vm0, v10, v9;
	v10 =	vsel vm0, v6, v10;
	(erf) = vpow2.f32 v19  }
0x36: {  	v11 =	vmul.f32 $2.500000000e-01, v13;
	vm1 =	vgt.f32 v13, v9;
	v3 =	vadd.f32 v12, v3;
	v18 =	vpop (erf)  }
0x37: {  	vm3 =	vgt.f32 v13, v5;
	v1 =	vmul.f32 $2.500000000e-01, v14;
	vm2 =	vgt.f32 v13, v10  }
0x38: {  	v12 =	vsel vm1, v13, v9;
	v2 =	vmul.f32 $1.442695020e+00, v11;
	v11 =	vsel vm2, v13, v10  }
0x39: {  	v10 =	vsel vm2, v10, v12;
	v1 =	vmul.f32 $1.442695020e+00, v1;
	v48 =	vmul.f32 $2.500000000e-01, v11  }
0x3a: {  	v5 =	vsel vm3, v13, v5;
	(erf) = vpow2.f32 v2;
	v2 =	vmul.f32 $2.500000000e-01, v10  }
0x3b: {  	v9 =	vsel vm1, v9, v5;
	(erf) = vpow2.f32 v1;
	v1 =	vmul.f32 $1.442695020e+00, v48  }
0x3c: {  	v5 =	vmul.f32 $2.500000000e-01, v9;
	v2 =	vmul.f32 $1.442695020e+00, v2  }
0x3d: {  	v16 =	vsel vm0, v4, v16;
	(erf) = vpow2.f32 v1  }
0x3e: {  	v49 =	vsel vm0, v8, v4;
	v1 =	vmul.f32 $1.442695020e+00, v5;
	(erf) = vpow2.f32 v2  }
0x3f: {  	v23 =	vsel vm2, v14, v49;
	v24 =	vsel vm1, v14, v16  }
0x40: {  	v50 =	vmul.f32 $2.500000000e-01, v23;
	v24 =	vsel vm2, v49, v24;
	(erf) = vpow2.f32 v1  }
0x41: {  	v17 =	vsel vm3, v14, v17;
	v25 =	vmul.f32 $2.500000000e-01, v24  }
0x42: {  	v16 =	vsel vm1, v16, v17;
	v19 =	vpop (erf);
	v17 =	vmul.f32 $1.442695020e+00, v50  }
0x43: {  	v25 =	vmul.f32 $1.442695020e+00, v25;
	v20 =	vpop (erf)  }
0x44: {  	v26 =	vmul.f32 $2.500000000e-01, v16;
	(erf) = vpow2.f32 v17;
	v21 =	vpop (erf)  }
0x45: {  	v7 =	vadd.f32 v18, v7;
	(erf) = vpow2.f32 v25;
	v22 =	vpop (erf)  }
0x46: {  	v60 =	vsub.f32 v6, v8;
	v63 =	vsub.f32 v13, v14;
	v52 =	vmul.f32 $1.442695020e+00, v26;
	v12 =	vpop (erf)  }
0x47: {  	v11 =	vsub.f32 v11, v23;
	v15 =	vadd.f32 v19, v15;
	v5 =	vpop (erf)  }
0x48: {  	v10 =	vsub.f32 v10, v24;
	(erf) = vpow2.f32 v52;
	v2 =	vadd.f32 v5, v12  }
0x49: {  	v9 =	vsub.f32 v9, v16;
	v8 =	vmul.f32 v19, v60;
	v15 =	vadd.f32 v21, v15;
	v1 =	vpop (erf)  }
0x4a: {  	v7 =	vadd.f32 v20, v7;
	v2 =	vadd.f32 v1, v2  }
0x4b: {  	v3 =	vadd.f32 v8, v3;
	v13 =	vmul.f32 v21, v63;
	v38 =	vand.u32 $0x7FFFFF, v15  }
0x4c: {  	v6 =	vadd.f32 v22, v7;
	v22 =	vor.u32 $0x3F800000, v38;
	v51 =	vand.u32 $0x7FFFFF, v2  }
0x4d: {  	v11 =	vmul.f32 v11, v12;
	v42 =	vmul.f32 $5.000000000e-01, v22;
	v57 =	vpop (erf);
	v4 =	vor.u32 $0x3F800000, v51  }
0x4e: {  	vm12 =	vgt.f32 v22, $1.414213540e+00;
	v5 =	vmul.f32 v10, v5;
	v28 =	vpop (erf);
	v27 =	vmul.f32 $5.000000000e-01, v4  }
0x4f: {  	v22 =	vsel vm12, v42, v22;
	v35 =	vadd.f32 v28, v57;
	vm10 =	vgt.f32 v4, $1.414213540e+00  }
0x50: {  	v29 =	vshrl.u32 v2, $0x17;
	v53 =	vsel vm10, v27, v4;
	v4 =	vsub.f32 v15, v2  }
0x51: {  	v1 =	vmul.f32 v9, v1;
	v45 =	vadd.f32 $1.000000000e+00, v22;
	v58 =	vpop (erf);
	v59 =	vand.u32 $0xFF, v29  }
0x52: {  	v18 =	vadd.f32 v58, v35;
	v54 =	vadd.f32 $1.000000000e+00, v53;
	v55 =	vand.u32 $0x7FFFFF, v4  }
0x53: {  	v22 =	vadd.f32 $-1.000000000e+00, v22;
	v61 =	vcvt.s32.f32 v59;
	v17 =	vor.u32 $0x3F800000, v55  }
0x54: {  	v43 =	vand.u32 $0x7FFFFF, v18;
	(erf) = vrcp.f32 v54;
	v56 =	vmul.f32 $5.000000000e-01, v17  }
0x55: {  	v32 =	vsub.f32 v6, v18;
	v18 =	vshrl.u32 v18, $0x17;
	vm11 =	vgt.f32 v17, $1.414213540e+00  }
0x56: {  	v36 =	vadd.f32 $-1.270000000e+02, v61;
	v44 =	vor.u32 $0x3F800000, v43;
	v17 =	vsel vm11, v56, v17  }
0x57: {  	v15 =	vshrl.u32 v15, $0x17;
	v18 =	vand.u32 $0xFF, v18;
	v25 =	vadd.f32 $1.000000000e+00, v17  }
0x58: {  	v26 =	vadd.f32 $-1.000000000e+00, v53;
	v46 =	vmul.f32 $5.000000000e-01, v44;
	vm13 =	vgt.f32 v44, $1.414213540e+00  }
0x59: {  	v15 =	vand.u32 $0xFF, v15;
	v41 =	vshrl.u32 v4, $0x17;
	(erf) = vrcp.f32 v25  }
0x5a: {  	v53 =	vand.u32 $0x7FFFFF, v32;
	v18 =	vcvt.s32.f32 v18;
	v27 =	vand.u32 $0xFF, v41  }
0x5b: {  	v28 =	vsel vm13, v46, v44;
	v27 =	vcvt.s32.f32 v27;
	(erf) = vrcp.f32 v45  }
0x5c: {  	v39 =	vadd.f32 $1.000000000e+00, v36;
	v15 =	vcvt.s32.f32 v15;
	v47 =	vadd.f32 $1.000000000e+00, v28  }
0x5d: {  	v55 =	vand.u32 $0x7FFFFF, v6;
	v18 =	vadd.f32 $-1.270000000e+02, v18;
	v27 =	vadd.f32 $-1.270000000e+02, v27;
	v62 =	vpop (erf)  }
0x5e: {  	v6 =	vshrl.u32 v6, $0x17;
	(erf) = vrcp.f32 v47;
	v14 =	vmul.f32 v62, v26  }
0x5f: {  	v15 =	vadd.f32 $-1.270000000e+02, v15;
	v6 =	vand.u32 $0xFF, v6;
	v49 =	vadd.f32 $1.000000000e+00, v27  }
0x60: {  	v28 =	vadd.f32 $-1.000000000e+00, v28;
	v6 =	vcvt.s32.f32 v6;
	v37 =	vmul.f32 v14, v14  }
0x61: {  	v17 =	vadd.f32 $-1.000000000e+00, v17;
	v25 =	vsel vm11, v49, v27;
	v27 =	vor.u32 $0x3F800000, v53  }
0x62: {  	v54 =	vadd.f32 $1.000000000e+00, v15;
	v33 =	vmul.f32 $5.000000000e-01, v27;
	v40 =	vmul.f32 $1.111111120e-01, v37;
	v30 =	vpop (erf)  }
0x63: {  	vm14 =	vgt.f32 v27, $1.414213540e+00;
	v17 =	vmul.f32 v30, v17;
	v30 =	vor.u32 $0x3F800000, v55  }
0x64: {  	v27 =	vsel vm14, v33, v27;
	v26 =	vadd.f32 $1.428571490e-01, v40;
	v56 =	vpop (erf);
	v34 =	vmul.f32 $5.000000000e-01, v30  }
0x65: {  	v57 =	vadd.f32 $1.000000000e+00, v27;
	v22 =	vmul.f32 v56, v22;
	vm15 =	vgt.f32 v30, $1.414213540e+00  }
0x66: {  	v31 =	vmul.f32 v17, v17;
	v26 =	vmul.f32 v26, v37;
	v30 =	vsel vm15, v34, v30  }
0x67: {  	(erf) = vrcp.f32 v57;
	v59 =	vpop (erf);
	v58 =	vmul.f32 v22, v22;
	v35 =	vadd.f32 $1.000000000e+00, v30  }
0x68: {  	v28 =	vmul.f32 v59, v28;
	v48 =	vmul.f32 $1.111111120e-01, v31;
	v51 =	vadd.f32 $2.000000030e-01, v26  }
0x69: {  	v20 =	vsel vm10, v39, v36;
	v60 =	vmul.f32 $1.111111120e-01, v58;
	(erf) = vrcp.f32 v35  }
0x6a: {  	v15 =	vsel vm12, v54, v15;
	v62 =	vmul.f32 v28, v28;
	v19 =	vmul.f32 v51, v37  }
0x6b: {  	v6 =	vadd.f32 $-1.270000000e+02, v6;
	v15 =	vmul.f32 $6.931471820e-01, v15;
	v50 =	vadd.f32 $1.428571490e-01, v48  }
0x6c: {  	v63 =	vadd.f32 $1.428571490e-01, v60;
	v29 =	vmul.f32 $1.111111120e-01, v62;
	v19 =	vadd.f32 $3.333333430e-01, v19  }
0x6d: {  	v45 =	vadd.f32 $1.000000000e+00, v18;
	v53 =	vadd.f32 $1.000000000e+00, v6;
	v52 =	vmul.f32 v50, v31  }
0x6e: {  	v21 =	vadd.f32 $1.428571490e-01, v29;
	v7 =	vmul.f32 v19, v37;
	v19 =	vmul.f32 v63, v58  }
0x6f: {  	v47 =	vsel vm13, v45, v18;
	v41 =	vadd.f32 $-1.000000000e+00, v27;
	v26 =	vadd.f32 $2.000000030e-01, v52  }
0x70: {  	v14 =	vadd.f32 v14, v14;
	v34 =	vmul.f32 v21, v62;
	v19 =	vadd.f32 $2.000000030e-01, v19  }
0x71: {  	v36 =	vadd.f32 $-1.000000000e+00, v30;
	v35 =	vpop (erf);
	v61 =	vmul.f32 v26, v31;
	v7 =	vadd.f32 $1.000000000e+00, v7  }
0x72: {  	v40 =	vmul.f32 $6.931471820e-01, v25;
	v37 =	vadd.f32 $2.000000030e-01, v34;
	v19 =	vmul.f32 v19, v58;
	v38 =	vpop (erf)  }
0x73: {  	v8 =	vadd.f32 $3.333333430e-01, v61;
	v7 =	vmul.f32 v7, v14;
	v14 =	vmul.f32 v38, v36  }
0x74: {  	v12 =	vmul.f32 v37, v62;
	v39 =	vadd.f32 $3.333333430e-01, v19;
	v19 =	vmul.f32 v35, v41  }
0x75: {  	v17 =	vadd.f32 v17, v17;
	v8 =	vmul.f32 v8, v31;
	v21 =	vmul.f32 v14, v14  }
0x76: {  	v22 =	vadd.f32 v22, v22;
	v16 =	vmul.f32 v39, v58;
	v43 =	vmul.f32 v19, v19  }
0x77: {  	v46 =	vadd.f32 v28, v28;
	v12 =	vadd.f32 $3.333333430e-01, v12;
	v42 =	vmul.f32 $1.111111120e-01, v21  }
0x78: {  	v8 =	vadd.f32 $1.000000000e+00, v8;
	v16 =	vadd.f32 $1.000000000e+00, v16;
	v44 =	vmul.f32 $1.111111120e-01, v43  }
0x79: {  	v31 =	vmul.f32 $6.931471820e-01, v20;
	v12 =	vmul.f32 v12, v62;
	v20 =	vadd.f32 $1.428571490e-01, v42  }
0x7a: {  	v8 =	vmul.f32 v8, v17;
	v16 =	vmul.f32 v16, v22;
	v17 =	vadd.f32 $1.428571490e-01, v44  }
0x7b: {  	v50 =	vshrl.u32 v32, $0x17;
	v12 =	vadd.f32 $1.000000000e+00, v12;
	v20 =	vmul.f32 v20, v21  }
0x7c: {  	v7 =	vadd.f32 v7, v31;
	v15 =	vadd.f32 v16, v15;
	v49 =	vmul.f32 v17, v43  }
0x7d: {  	v8 =	vadd.f32 v8, v40;
	v10 =	vmul.f32 v12, v46;
	v48 =	vadd.f32 $2.000000030e-01, v20  }
0x7e: {  	v17 =	vand.u32 $0xFF, v50;
	v12 =	vadd.f32 $2.000000030e-01, v49;
	v51 =	vsub.f32 v7, v15  }
0x7f: {  	v17 =	vcvt.s32.f32 v17;
	v15 =	vsub.f32 v8, v15;
	v18 =	vmul.f32 v48, v21  }
0x80: {  	v6 =	vsel vm15, v53, v6;
	v12 =	vmul.f32 v12, v43;
	v52 =	vmul.f32 $1.442695020e+00, v51  }
0x81: {  	v6 =	vmul.f32 $6.931471820e-01, v6;
	v54 =	vmul.f32 $1.442695020e+00, v15;
	v18 =	vadd.f32 $3.333333430e-01, v18  }
0x82: {  	v17 =	vadd.f32 $-1.270000000e+02, v17;
	v12 =	vadd.f32 $3.333333430e-01, v12;
	(erf) = vpow2.f32 v52  }
0x83: {  	(erf) = vpow2.f32 v54;
	v18 =	vmul.f32 v18, v21  }
0x84: {  	v12 =	vmul.f32 v12, v43;
	(erf) = vrcp.f32 v2;
	v2 =	vadd.f32 $1.000000000e+00, v17  }
0x85: {  	v14 =	vadd.f32 v14, v14;
	v56 =	vadd.f32 v19, v19;
	(erf) = vrcp.f32 v4  }
0x86: {  	v18 =	vadd.f32 $1.000000000e+00, v18;
	v55 =	vadd.f32 $1.000000000e+00, v12;
	v2 =	vsel vm14, v2, v17  }
0x87: {  	v5 =	vadd.f32 v5, v11;
	v16 =	vmul.f32 $6.931471820e-01, v47;
	v2 =	vmul.f32 $6.931471820e-01, v2  }
0x88: {  	v3 =	vadd.f32 v13, v3;
	v14 =	vmul.f32 v18, v14;
	v4 =	vmul.f32 v55, v56  }
0x89: {  	v1 =	vadd.f32 v1, v5;
	v57 =	vadd.f32 v10, v16  }
0x8a: {  	v6 =	vadd.f32 v14, v6;
	v2 =	vadd.f32 v4, v2  }
0x8b: {  	v3 =	vsub.f32 v3, v1;
	v60 =	vpop (erf)  }
0x8c: {  	v58 =	vsub.f32 v57, v6;
	v59 =	vsub.f32 v2, v6;
	v61 =	vpop (erf)  }
0x8d: {  	v1 =	vmul.f32 $2.500000000e-01, v1;
	v3 =	vmul.f32 $2.500000000e-01, v3;
	v62 =	vpop (erf)  }
0x8e: {  	v4 =	vsub.f32 v51, v58;
	v5 =	vsub.f32 v15, v59;
	v63 =	vpop (erf)  }
0x8f: {  	v7 =	vsub.f32 v7, v57;
	v1 =	vmul.f32 v1, v62;
	v3 =	vmul.f32 v3, v63  }
0x90: {  	v2 =	vsub.f32 v8, v2;
	v4 =	vmul.f32 v4, v60;
	v5 =	vmul.f32 v5, v61  }
0x91: {  	v1 =	vsub.f32 v1, v7  }
0x92: {  	s15 =	sadd.s32 $0x1, s15;
	v2 =	vsub.f32 v3, v2;
	v4 =	vadd.f32 v5, v4  }
0x93: {  	p1 =	sne.s32 s15, $0x10  }
.Ltmp1:
0x94: {  	v2 =	vadd.f32 v2, v2;
	v1 =	vadd.f32 v4, v1;
	(pc) =	sbr.rel @p1 .LBB2_3-.Ltmp1, $3  }
0x95: {  	_ = 	snop  }
0x96: {  	v1 =	vadd.f32 v1, v2;
	_ =	sdelay $0x1  }
0x97: {  	s13 =	sadd.s32 $0x10, s13;
	s14 =	sadd.s32 $0x10, s14;
	v0 =	vadd.f32 v1, v0  }
.Ltmp2:
0x98: {  	(pc) =	sbr.rel @p0 .LBB2_2-.Ltmp2, $2  }
0x99: {  	_ =	sdelay $0x2  }
0x9a: {  	s13 =	simm.s32 $0x100;
	p1 =	por $0x0, $0x0  }
0x9b: {  	s12 =	sadd.s32 $0x1, s12  }
0x9c: {  	p0 =	sne.s32 s12, s7  }
.Ltmp3:
0x9d: {  	[tilespmem:$0x12C00] =	vst v0;
	(pc) =	sbr.rel @p0 .LBB2_1-.Ltmp3, $4  }
0x9e: {  	[hbm4b:s6+s4] =	stream.linear.scatter [tilespmem:s11], [sflag:$0x1], $0x80, $0x38;
	[tilespmem:$0x12C80] =	vst v63  }
0x9f: {  	_ =	swait.ge [sflag:s10], $0x80  }
0xa0: {  	[sflag:s10] =	ssyncset.done $0x0  }
0xa1: {  	[sflag:s10] =	ssyncadd.s32 $0xFFFFFF80  }
0xa2: {  	_ =	sfence.sel $0x180000  }
0xa3: {  	[bflag:$0x0] =	sbarrier.arrive $0xFFFF  }
0xa4: {  	p0 =	sne.s32 s2, $0x0;
	_ =	strace $0x90000047  }
0xa5: {  	s0 =	sadd.s32 @!p0 $0x100000, s0;
	[bflag:$0x2] =	sbarrier.arrive $0xFFFF  }
0xa6: {  	[sflag:s0] =	ssyncadd.tile.s32 @!p0 $0x1;
	_ =	shalt  }
.Lfunc_end2:
_tile_overlayer_lowered:
.L_overlay_start_2:
0xa7: {  	(tag) =	ssettag $0x2  }
0xa8: {  	s0 =	rddreg [dreg:$0x0];
	s2 =	stileid.u32  }
0xa9: {  	s1 =	rddreg [dreg:$0x1];
	p0 =	sne.s32 s2, $0x0  }
0xaa: {  	s3 =	rddreg [dreg:$0x2];
	[bflag:$0x3] =	sbarrier.arrive $0xFFFF;
	s2 =	simm.s32 @!p0 $0x1C01  }
0xab: {  	[timem:s3], [sflag:s2] =	dma.local @!p0 [hbm:s0], s1  }
0xac: {  	s0 =	simm.s32 @!p0 $0x1  }
0xad: {  	_ =	swait.ge @!p0 [sflag:s0], s1  }
0xae: {  	s1 =	ssub.s32 @!p0 $0x0, s1;
	[sflag:s0] =	ssyncset.done @!p0 $0x0  }
0xaf: {  	[sflag:s0] =	ssyncadd.s32 @!p0 s1  }
0xb0: {  	[bflag:$0x3] =	sbarrier.arrive $0xFFFF  }
0xb1: {  	_ =	shalt  }

</sc_bundles>
